<compile_context>
chip_gen: v7x
topology: tpu7x:2x2x1
jax: 0.10.2.dev20260603
libtpu: 0.0.44.dev20260713+nightly
codegen_flags: <defaults>
</compile_context>

<pallas_src>
import functools

import jax
import jax.numpy as jnp
from jax import lax
from jax.experimental import pallas as pl
from jax.experimental.pallas import tpu as pltpu
from jax.experimental.pallas import tpu_sc as plsc

N_NODES = 10000
N_GRAPHS = 50
N_EDGES = 320000
FEAT = 128
POS_DIM = 320

NP = 10240
NT = 32
CH = 80
CK = 128
EP = NT * CH * CK
RPT = NP // 16
RB = 2048
NB = NP // RB

NR = NP // 128


def _deg_body(lo_hbm, hi_hbm, eye_hbm, zeros_hbm, out_hbm,
              los_v, his_v, rows0_v, rows1_v, deg_sh, gsem0, gsem1):
    cid = lax.axis_index("c")
    sid = lax.axis_index("s")
    tile = cid * 16 + sid

    @pl.when(sid < NR // 8)
    def _zero():
        pltpu.sync_copy(zeros_hbm, deg_sh.at[pl.ds(sid * 8, 8)])

    pltpu.sync_copy(lo_hbm.at[tile], los_v)
    pltpu.sync_copy(hi_hbm.at[tile], his_v)
    plsc.subcore_barrier()

    pltpu.async_copy(eye_hbm.at[los_v.at[0]], rows0_v, gsem0)

    def body(j, carry):
        k0 = 2 * j
        k1 = k0 + 1
        pltpu.async_copy(eye_hbm.at[los_v.at[k1]], rows1_v, gsem1)
        pltpu.make_async_copy(eye_hbm.at[los_v.at[k0]], rows0_v, gsem0).wait()
        pltpu.sync_copy(rows0_v, deg_sh.at[his_v.at[k0]], add=True)

        @pl.when(j < CH // 2 - 1)
        def _next():
            pltpu.async_copy(eye_hbm.at[los_v.at[k0 + 2]], rows0_v, gsem0)

        pltpu.make_async_copy(eye_hbm.at[los_v.at[k1]], rows1_v, gsem1).wait()
        pltpu.sync_copy(rows1_v, deg_sh.at[his_v.at[k1]], add=True)
        return carry

    lax.fori_loop(0, CH // 2, body, 0)
    plsc.subcore_barrier()

    @pl.when(sid < NR // 8)
    def _wb():
        pltpu.sync_copy(deg_sh.at[pl.ds(sid * 8, 8)],
                        out_hbm.at[cid, pl.ds(sid * 8, 8)])


def _edge_body(src_hbm, dst_hbm, h2s_hbm, zeros_hbm, out_hbm,
               srcs_v, dsts_v, rows0_v, rows1_v, acc_sh, gsem0, gsem1):
    cid = lax.axis_index("c")
    sid = lax.axis_index("s")
    tile = cid * 16 + sid
    pltpu.sync_copy(zeros_hbm, acc_sh.at[pl.ds(sid * RPT, RPT)])
    plsc.subcore_barrier()

    HCH = CH // 2
    for p in range(2):
        pltpu.sync_copy(src_hbm.at[tile, pl.ds(p * HCH, HCH)], srcs_v)
        pltpu.sync_copy(dst_hbm.at[tile, pl.ds(p * HCH, HCH)], dsts_v)
        pltpu.async_copy(h2s_hbm.at[srcs_v.at[0]], rows0_v, gsem0)

        def body(j, carry):
            k0 = 2 * j
            k1 = k0 + 1
            pltpu.async_copy(h2s_hbm.at[srcs_v.at[k1]], rows1_v, gsem1)
            pltpu.make_async_copy(h2s_hbm.at[srcs_v.at[k0]], rows0_v,
                                  gsem0).wait()
            pltpu.sync_copy(rows0_v, acc_sh.at[dsts_v.at[k0]], add=True)

            @pl.when(j < HCH // 2 - 1)
            def _next():
                pltpu.async_copy(h2s_hbm.at[srcs_v.at[k0 + 2]], rows0_v, gsem0)

            pltpu.make_async_copy(h2s_hbm.at[srcs_v.at[k1]], rows1_v,
                                  gsem1).wait()
            pltpu.sync_copy(rows1_v, acc_sh.at[dsts_v.at[k1]], add=True)
            return carry

        lax.fori_loop(0, HCH // 2, body, 0)
    plsc.subcore_barrier()
    pltpu.sync_copy(acc_sh.at[pl.ds(sid * RPT, RPT)],
                    out_hbm.at[cid, pl.ds(sid * RPT, RPT)])


def _mm(a, b):
    return jnp.dot(a, b, precision=lax.Precision.HIGHEST,
                   preferred_element_type=jnp.float32)


def _mmbf(a, b):
    return jnp.dot(a.astype(jnp.bfloat16), b.astype(jnp.bfloat16),
                   preferred_element_type=jnp.float32)


@functools.lru_cache(maxsize=1)
def _sc_kernels():
    mesh = plsc.VectorSubcoreMesh(core_axis_name="c", subcore_axis_name="s")
    deg_kernel = pl.kernel(
        _deg_body,
        out_type=jax.ShapeDtypeStruct((2, NR, 128), jnp.float32),
        mesh=mesh,
        scratch_types=[
            pltpu.VMEM((CH, CK), jnp.int32),
            pltpu.VMEM((CH, CK), jnp.int32),
            pltpu.VMEM((CK, 128), jnp.float32),
            pltpu.VMEM((CK, 128), jnp.float32),
            pltpu.VMEM_SHARED((NR, 128), jnp.float32),
            pltpu.SemaphoreType.DMA,
            pltpu.SemaphoreType.DMA,
        ],
    )
    edge_kernel = pl.kernel(
        _edge_body,
        out_type=jax.ShapeDtypeStruct((2, NP, FEAT), jnp.float32),
        mesh=mesh,
        scratch_types=[
            pltpu.VMEM((CH // 2, CK), jnp.int32),
            pltpu.VMEM((CH // 2, CK), jnp.int32),
            pltpu.VMEM((CK, FEAT), jnp.float32),
            pltpu.VMEM((CK, FEAT), jnp.float32),
            pltpu.VMEM_SHARED((NP, FEAT), jnp.float32),
            pltpu.SemaphoreType.DMA,
            pltpu.SemaphoreType.DMA,
        ],
    )
    return deg_kernel, edge_kernel


def _prep_body(z_ref, cond_ref, wi_ref, bi_ref, wc_ref, batch_blk_ref,
               batch_full_ref, deg0_ref, deg1_ref, h2s_ref):
    i = pl.program_id(0)
    hg = jnp.maximum(
        _mmbf(z_ref[...], wi_ref[0:FEAT, :])
        + _mmbf(cond_ref[...], wi_ref[FEAT:FEAT + 64, :])
        + bi_ref[...], 0.0)
    g_mat = _mmbf(hg, wc_ref[0:FEAT, :])
    bf = batch_full_ref[...].astype(jnp.float32)
    gcol = lax.broadcasted_iota(jnp.int32, (N_GRAPHS, 1), 0).astype(jnp.float32)
    starts = jnp.sum((bf < gcol).astype(jnp.float32), axis=1,
                     keepdims=True)
    bb = batch_blk_ref[...].reshape(RB, 1).astype(jnp.float32)
    grow = lax.broadcasted_iota(jnp.int32, (1, N_GRAPHS), 1).astype(jnp.float32)
    ob = (bb == grow).astype(jnp.float32)
    sb = _mm(ob, starts)
    r = (i * RB
         + lax.broadcasted_iota(jnp.int32, (RB, 1), 0)).astype(jnp.float32)
    order = r - sb
    oi = lax.broadcasted_iota(jnp.int32, (RB, POS_DIM), 1).astype(jnp.float32)
    oo = (order == oi).astype(jnp.float32)
    h2 = _mm(ob, g_mat) + _mmbf(oo, wc_ref[FEAT:FEAT + POS_DIM, :])
    dis = 1.0 / jnp.sqrt(deg0_ref[...] + deg1_ref[...] + 1.0)
    h2s_ref[...] = h2 * dis


def _head_body(acc0_ref, acc1_ref, h2s_ref, deg0_ref, deg1_ref, bc_ref,
               wd_ref, bd_ref, wf_ref, bf_ref, out_ref):
    dis = 1.0 / jnp.sqrt(deg0_ref[...] + deg1_ref[...] + 1.0)
    h3 = jnp.maximum(
        (acc0_ref[...] + acc1_ref[...] + h2s_ref[...]) * dis + bc_ref[...],
        0.0)
    a = jnp.maximum(_mmbf(h3, wd_ref[...]) + bd_ref[...], 0.0)
    out_ref[...] = _mmbf(a, wf_ref[...]) + bf_ref[...]


def kernel(z, condition, edge_index, batch, W_init, b_init, W_conv, b_conv,
           W_dpos, b_dpos, W_fpos, b_fpos, W_dsize, b_dsize, W_fsize,
           b_fsize, W_dtheta, b_dtheta, W_ftheta, b_ftheta):
    f32 = jnp.float32
    ei = edge_index.astype(jnp.int32)
    epad = jnp.full((EP - N_EDGES,), NP - 1, jnp.int32)
    src = jnp.concatenate([ei[0], epad]).reshape(NT, CH, CK)
    dst = jnp.concatenate([ei[1], epad]).reshape(NT, CH, CK)
    batch_p = jnp.concatenate(
        [batch.astype(jnp.int32),
         jnp.full((NP - N_NODES,), N_GRAPHS - 1, jnp.int32)]).reshape(1, NP)

    zeros128 = jnp.zeros((RPT, FEAT), f32)
    dst_flat = jnp.concatenate([ei[1], epad])
    lo = (dst_flat & 127).reshape(NT, CH, CK)
    hi = (dst_flat >> 7).reshape(NT, CH, CK)
    eye = jnp.eye(128, dtype=f32)
    zeros8 = jnp.zeros((8, 128), f32)

    deg_kernel, edge_kernel = _sc_kernels()
    deg = deg_kernel(lo, hi, eye, zeros8)
    deg0 = deg[0].reshape(NP, 1)
    deg1 = deg[1].reshape(NP, 1)

    full = lambda shape: pl.BlockSpec(shape, lambda i: (0,) * len(shape))
    rows = lambda w: pl.BlockSpec((RB, w), lambda i: (i, 0))

    h2s = pl.pallas_call(
        _prep_body,
        grid=(NB,),
        in_specs=[
            full((N_GRAPHS, 128)),
            full((N_GRAPHS, 64)),
            full((192, FEAT)),
            full((1, FEAT)),
            full((FEAT + POS_DIM, FEAT)),
            pl.BlockSpec((1, RB), lambda i: (0, i)),
            full((1, NP)),
            rows(1),
            rows(1),
        ],
        out_specs=rows(FEAT),
        out_shape=jax.ShapeDtypeStruct((NP, FEAT), f32),
    )(z, condition, W_init, b_init.reshape(1, FEAT), W_conv, batch_p,
      batch_p, deg0, deg1)

    acc = edge_kernel(src, dst, h2s, zeros128)

    wd_cat = jnp.concatenate([W_dpos, W_dsize, W_dtheta], axis=1)
    bd_cat = jnp.concatenate([b_dpos, b_dsize, b_dtheta]).reshape(1, 384)
    wf_bd = jnp.zeros((384, 8), f32)
    wf_bd = wf_bd.at[0:128, 0:2].set(W_fpos)
    wf_bd = wf_bd.at[128:256, 2:4].set(W_fsize)
    wf_bd = wf_bd.at[256:384, 4:5].set(W_ftheta)
    bf_cat = jnp.zeros((1, 8), f32)
    bf_cat = bf_cat.at[0, 0:2].set(b_fpos)
    bf_cat = bf_cat.at[0, 2:4].set(b_fsize)
    bf_cat = bf_cat.at[0, 4:5].set(b_ftheta)

    out8 = pl.pallas_call(
        _head_body,
        grid=(NB,),
        in_specs=[
            rows(FEAT),
            rows(FEAT),
            rows(FEAT),
            rows(1),
            rows(1),
            full((1, FEAT)),
            full((FEAT, 384)),
            full((1, 384)),
            full((384, 8)),
            full((1, 8)),
        ],
        out_specs=rows(8),
        out_shape=jax.ShapeDtypeStruct((NP, 8), f32),
    )(acc[0], acc[1], h2s, deg0, deg1, b_conv.reshape(1, FEAT), wd_cat,
      bd_cat, wf_bd, bf_cat)

    return (out8[:N_NODES, 0:2], out8[:N_NODES, 2:4], out8[:N_NODES, 4:5])

# --- scband reference (transcript-rebuilt; emitter-appended) ---
"""Pipeline reference for scband-graph-decoder-67680094650553 (READ-ONLY COPY).

The authoritative reference and input builder live on the scoring server;
editing this copy changes nothing except your own understanding.
"""

import jax, jax.numpy as jnp
import numpy as np

N_NODES = 10000
N_GRAPHS = 50
N_EDGES = 320000
LATENT = 128
BOTTLENECK = 64
FEAT = 128
POS_DIM = 320

def _glorot(key, shape):
    lim = np.sqrt(6.0 / (shape[0] + shape[1]))
    return jax.random.uniform(key, shape, jnp.float32, -lim, lim)

def setup_inputs(seed: int = 0):
    key = jax.random.key(seed)
    ks = jax.random.split(key, 24)
    inp = {}
    inp['z'] = jax.random.normal(ks[0], (N_GRAPHS, LATENT), dtype=jnp.float32)
    inp['condition'] = jax.random.normal(ks[1], (N_GRAPHS, BOTTLENECK), dtype=jnp.float32)
    inp['edge_index'] = jax.random.randint(ks[2], (2, N_EDGES), 0, N_NODES)
    inp['batch'] = jnp.sort(jax.random.randint(ks[3], (N_NODES,), 0, N_GRAPHS))
    inp['W_init'] = _glorot(ks[4], (LATENT + BOTTLENECK, FEAT))
    inp['b_init'] = jnp.zeros((FEAT,), jnp.float32)
    inp['W_conv'] = _glorot(ks[5], (FEAT + POS_DIM, FEAT))
    inp['b_conv'] = jnp.zeros((FEAT,), jnp.float32)
    inp['W_dpos'] = _glorot(ks[6], (FEAT, FEAT)); inp['b_dpos'] = jnp.zeros((FEAT,), jnp.float32)
    inp['W_fpos'] = _glorot(ks[7], (FEAT, 2)); inp['b_fpos'] = jnp.zeros((2,), jnp.float32)
    inp['W_dsize'] = _glorot(ks[8], (FEAT, FEAT)); inp['b_dsize'] = jnp.zeros((FEAT,), jnp.float32)
    inp['W_fsize'] = _glorot(ks[9], (FEAT, 2)); inp['b_fsize'] = jnp.zeros((2,), jnp.float32)
    inp['W_dtheta'] = _glorot(ks[10], (FEAT, FEAT)); inp['b_dtheta'] = jnp.zeros((FEAT,), jnp.float32)
    inp['W_ftheta'] = _glorot(ks[11], (FEAT, 1)); inp['b_ftheta'] = jnp.zeros((1,), jnp.float32)
    return inp

def _node_order_one_hot(batch):
    counts = jnp.bincount(batch, length=N_GRAPHS)
    starts = jnp.concatenate([jnp.zeros((1,), counts.dtype), jnp.cumsum(counts)[:-1]])
    order = jnp.arange(batch.shape[0]) - starts[batch]
    return jax.nn.one_hot(order, POS_DIM, dtype=jnp.float32)

def _gcn_conv(x, edge_index, W, b):
    n = x.shape[0]
    loop = jnp.arange(n, dtype=edge_index.dtype)
    src = jnp.concatenate([edge_index[0], loop])
    dst = jnp.concatenate([edge_index[1], loop])
    deg = jnp.zeros((n,), x.dtype).at[dst].add(1.0)
    dis = jnp.where(deg > 0, 1.0 / jnp.sqrt(deg), 0.0)
    norm = dis[src] * dis[dst]
    h = x @ W
    msg = jnp.take(h, src, axis=0) * norm[:, None]
    out = jnp.zeros((n, h.shape[1]), x.dtype).at[dst].add(msg)
    return out + b

def reference(z, condition, edge_index, batch, W_init, b_init, W_conv, b_conv, W_dpos, b_dpos, W_fpos, b_fpos, W_dsize, b_dsize, W_fsize, b_fsize, W_dtheta, b_dtheta, W_ftheta, b_ftheta):
    zc = jnp.concatenate([z, condition], axis=1)
    h = zc @ W_init + b_init
    h = jnp.take(h, batch, axis=0)
    pos = _node_order_one_hot(batch)
    h = jnp.concatenate([h, pos], axis=1)
    h = jax.nn.relu(h)
    h = jax.nn.relu(_gcn_conv(h, edge_index, W_conv, b_conv))
    out_pos = jax.nn.relu(h @ W_dpos + b_dpos) @ W_fpos + b_fpos
    out_size = jax.nn.relu(h @ W_dsize + b_dsize) @ W_fsize + b_fsize
    out_theta = jax.nn.relu(h @ W_dtheta + b_dtheta) @ W_ftheta + b_ftheta
    return (out_pos, out_size, out_theta)

if __name__ == "__main__":
    import jax
    _d = setup_inputs()
    print(jax.jit(kernel)(*tuple(_d.values())))

</pallas_src>

<mosaic_0001>
#map = affine_map<(d0, d1) -> (0, 0, 0)>
#map1 = affine_map<(d0, d1) -> (0, 0)>
module attributes {stable_mosaic.version = 14 : i64} {
  func.func @_edge_body(%arg0: i32, %arg1: i32, %arg2: memref<32x80x128xi32, #tpu.memory_space<hbm>>, %arg3: memref<32x80x128xi32, #tpu.memory_space<hbm>>, %arg4: memref<10240x128xf32, #tpu.memory_space<hbm>>, %arg5: memref<640x128xf32, #tpu.memory_space<hbm>>, %arg6: memref<2x10240x128xf32, #tpu.memory_space<hbm>>, %arg7: memref<40x128xi32, #tpu.memory_space<vmem>>, %arg8: memref<40x128xi32, #tpu.memory_space<vmem>>, %arg9: memref<128x128xf32, #tpu.memory_space<vmem>>, %arg10: memref<128x128xf32, #tpu.memory_space<vmem>>, %arg11: memref<10240x128xf32, #tpu.memory_space<vmem_shared>>, %arg12: memref<!tpu.dma_semaphore, #tpu.memory_space<semaphore_mem>>, %arg13: memref<!tpu.dma_semaphore, #tpu.memory_space<semaphore_mem>>) attributes {dimension_semantics = [#tpu.dimension_semantics<core_parallel>, #tpu.dimension_semantics<subcore_parallel>], iteration_bounds = array<i64: 2, 16>, scalar_prefetch = 0 : i64, scratch_operands = 7 : i64, tpu.core_type = #tpu.core_type<sc_vector_subcore>, window_params = [{transform_indices = #map}, {transform_indices = #map}, {transform_indices = #map1}, {transform_indices = #map1}, {transform_indices = #map}]} {
    %mul3A = arith.constant 16 : i32
    %mul3A_0 = arith.muli %arg0, %mul3A : i32
    %add3A = arith.addi %mul3A_0, %arg1 : i32
    %mul3A_1 = arith.constant 640 : i32
    %mul3A_2 = arith.muli %arg1, %mul3A_1 : i32
    "tpu.region"() ({
      %run_scoped3A = tpu.sem_alloc : memref<!tpu.dma_semaphore, #tpu.memory_space<semaphore_mem>>
      %dma_start3A_32 = arith.constant 0 : i32
      %dma_start3A_33 = tpu.memref_slice %arg11[%mul3A_2, %dma_start3A_32] : memref<10240x128xf32, #tpu.memory_space<vmem_shared>> -> memref<640x128xf32, #tpu.memory_space<vmem_shared>>
      tpu.enqueue_dma source(%arg5 : memref<640x128xf32, #tpu.memory_space<hbm>>) target(%dma_start3A_33 : memref<640x128xf32, #tpu.memory_space<vmem_shared>>) target_semaphore(%run_scoped3A : memref<!tpu.dma_semaphore, #tpu.memory_space<semaphore_mem>>)
      %dma_wait3A = arith.constant 0 : i32
      %dma_wait3A_34 = tpu.memref_slice %arg11[%mul3A_2, %dma_wait3A] : memref<10240x128xf32, #tpu.memory_space<vmem_shared>> -> memref<640x128xf32, #tpu.memory_space<vmem_shared>>
      tpu.wait_dma2 semaphore(%run_scoped3A : memref<!tpu.dma_semaphore, #tpu.memory_space<semaphore_mem>>) src(%arg5 : memref<640x128xf32, #tpu.memory_space<hbm>>) dst(%dma_wait3A_34 : memref<640x128xf32, #tpu.memory_space<vmem_shared>>)
      tpu.yield
    }) : () -> ()
    %barrier3A = arith.constant 0 : index
    tpu.barrier barrier_id(%barrier3A)
    "tpu.region"() ({
      %run_scoped3A = tpu.sem_alloc : memref<!tpu.dma_semaphore, #tpu.memory_space<semaphore_mem>>
      %dma_start3A_32 = arith.constant 0 : i32
      %dma_start3A_33 = arith.constant 0 : i32
      %dma_start3A_34 = tpu.memref_slice %arg2[%add3A, %dma_start3A_32, %dma_start3A_33] : memref<32x80x128xi32, #tpu.memory_space<hbm>> -> memref<1x40x128xi32, #tpu.memory_space<hbm>>
      %dma_start3A_35 = tpu.memref_squeeze %dma_start3A_34 : memref<1x40x128xi32, #tpu.memory_space<hbm>> -> memref<40x128xi32, #tpu.memory_space<hbm>>
      %dma_start3A_36 = arith.constant 0 : i32
      %dma_start3A_37 = arith.constant 0 : i32
      %dma_start3A_38 = tpu.memref_slice %arg2[%add3A, %dma_start3A_36, %dma_start3A_37] : memref<32x80x128xi32, #tpu.memory_space<hbm>> -> memref<1x40x128xi32, #tpu.memory_space<hbm>>
      %dma_start3A_39 = tpu.memref_squeeze %dma_start3A_38 : memref<1x40x128xi32, #tpu.memory_space<hbm>> -> memref<40x128xi32, #tpu.memory_space<hbm>>
      tpu.enqueue_dma source(%dma_start3A_39 : memref<40x128xi32, #tpu.memory_space<hbm>>) target(%arg7 : memref<40x128xi32, #tpu.memory_space<vmem>>) target_semaphore(%run_scoped3A : memref<!tpu.dma_semaphore, #tpu.memory_space<semaphore_mem>>)
      %dma_wait3A = arith.constant 0 : i32
      %dma_wait3A_40 = arith.constant 0 : i32
      %dma_wait3A_41 = tpu.memref_slice %arg2[%add3A, %dma_wait3A, %dma_wait3A_40] : memref<32x80x128xi32, #tpu.memory_space<hbm>> -> memref<1x40x128xi32, #tpu.memory_space<hbm>>
      %dma_wait3A_42 = tpu.memref_squeeze %dma_wait3A_41 : memref<1x40x128xi32, #tpu.memory_space<hbm>> -> memref<40x128xi32, #tpu.memory_space<hbm>>
      %dma_wait3A_43 = arith.constant 0 : i32
      %dma_wait3A_44 = arith.constant 0 : i32
      %dma_wait3A_45 = tpu.memref_slice %arg2[%add3A, %dma_wait3A_43, %dma_wait3A_44] : memref<32x80x128xi32, #tpu.memory_space<hbm>> -> memref<1x40x128xi32, #tpu.memory_space<hbm>>
      %dma_wait3A_46 = tpu.memref_squeeze %dma_wait3A_45 : memref<1x40x128xi32, #tpu.memory_space<hbm>> -> memref<40x128xi32, #tpu.memory_space<hbm>>
      tpu.wait_dma2 semaphore(%run_scoped3A : memref<!tpu.dma_semaphore, #tpu.memory_space<semaphore_mem>>) src(%dma_wait3A_46 : memref<40x128xi32, #tpu.memory_space<hbm>>) dst(%arg7 : memref<40x128xi32, #tpu.memory_space<vmem>>)
      tpu.yield
    }) : () -> ()
    "tpu.region"() ({
      %run_scoped3A = tpu.sem_alloc : memref<!tpu.dma_semaphore, #tpu.memory_space<semaphore_mem>>
      %dma_start3A_32 = arith.constant 0 : i32
      %dma_start3A_33 = arith.constant 0 : i32
      %dma_start3A_34 = tpu.memref_slice %arg3[%add3A, %dma_start3A_32, %dma_start3A_33] : memref<32x80x128xi32, #tpu.memory_space<hbm>> -> memref<1x40x128xi32, #tpu.memory_space<hbm>>
      %dma_start3A_35 = tpu.memref_squeeze %dma_start3A_34 : memref<1x40x128xi32, #tpu.memory_space<hbm>> -> memref<40x128xi32, #tpu.memory_space<hbm>>
      %dma_start3A_36 = arith.constant 0 : i32
      %dma_start3A_37 = arith.constant 0 : i32
      %dma_start3A_38 = tpu.memref_slice %arg3[%add3A, %dma_start3A_36, %dma_start3A_37] : memref<32x80x128xi32, #tpu.memory_space<hbm>> -> memref<1x40x128xi32, #tpu.memory_space<hbm>>
      %dma_start3A_39 = tpu.memref_squeeze %dma_start3A_38 : memref<1x40x128xi32, #tpu.memory_space<hbm>> -> memref<40x128xi32, #tpu.memory_space<hbm>>
      tpu.enqueue_dma source(%dma_start3A_39 : memref<40x128xi32, #tpu.memory_space<hbm>>) target(%arg8 : memref<40x128xi32, #tpu.memory_space<vmem>>) target_semaphore(%run_scoped3A : memref<!tpu.dma_semaphore, #tpu.memory_space<semaphore_mem>>)
      %dma_wait3A = arith.constant 0 : i32
      %dma_wait3A_40 = arith.constant 0 : i32
      %dma_wait3A_41 = tpu.memref_slice %arg3[%add3A, %dma_wait3A, %dma_wait3A_40] : memref<32x80x128xi32, #tpu.memory_space<hbm>> -> memref<1x40x128xi32, #tpu.memory_space<hbm>>
      %dma_wait3A_42 = tpu.memref_squeeze %dma_wait3A_41 : memref<1x40x128xi32, #tpu.memory_space<hbm>> -> memref<40x128xi32, #tpu.memory_space<hbm>>
      %dma_wait3A_43 = arith.constant 0 : i32
      %dma_wait3A_44 = arith.constant 0 : i32
      %dma_wait3A_45 = tpu.memref_slice %arg3[%add3A, %dma_wait3A_43, %dma_wait3A_44] : memref<32x80x128xi32, #tpu.memory_space<hbm>> -> memref<1x40x128xi32, #tpu.memory_space<hbm>>
      %dma_wait3A_46 = tpu.memref_squeeze %dma_wait3A_45 : memref<1x40x128xi32, #tpu.memory_space<hbm>> -> memref<40x128xi32, #tpu.memory_space<hbm>>
      tpu.wait_dma2 semaphore(%run_scoped3A : memref<!tpu.dma_semaphore, #tpu.memory_space<semaphore_mem>>) src(%dma_wait3A_46 : memref<40x128xi32, #tpu.memory_space<hbm>>) dst(%arg8 : memref<40x128xi32, #tpu.memory_space<vmem>>)
      tpu.yield
    }) : () -> ()
    %dma_start3A = arith.constant 0 : i32
    %dma_start3A_3 = arith.constant 0 : i32
    %dma_start3A_4 = tpu.memref_slice %arg7[%dma_start3A, %dma_start3A_3] : memref<40x128xi32, #tpu.memory_space<vmem>> -> memref<1x128xi32, #tpu.memory_space<vmem>>
    %dma_start3A_5 = tpu.memref_squeeze %dma_start3A_4 : memref<1x128xi32, #tpu.memory_space<vmem>> -> memref<128xi32, #tpu.memory_space<vmem>>
    %dma_start3A_6 = arith.constant 0 : i32
    %dma_start3A_7 = arith.constant 0 : i32
    %dma_start3A_8 = tpu.memref_slice %arg4[%dma_start3A_6, %dma_start3A_7] : memref<10240x128xf32, #tpu.memory_space<hbm>> -> memref<10240x128xf32, #tpu.memory_space<hbm>>
    tpu.enqueue_indirect_dma source(%dma_start3A_8 : memref<10240x128xf32, #tpu.memory_space<hbm>>) target(%arg9 : memref<128x128xf32, #tpu.memory_space<vmem>>) offsets(%dma_start3A_5 : memref<128xi32, #tpu.memory_space<vmem>>) semaphore(%arg12 : memref<!tpu.dma_semaphore, #tpu.memory_space<semaphore_mem>>)
    %scan3A = arith.constant 0 : i32
    %scan3A_9 = arith.constant 0 : i32
    %scan3A_10 = arith.constant 20 : i32
    %scan3A_11 = arith.addi %scan3A_9, %scan3A_10 : i32
    %scan3A_12 = arith.constant 1 : i32
    scf.for %scan3A_32 = %scan3A_9 to %scan3A_11 step %scan3A_12  : i32 {
      %mul3A_33 = arith.constant 2 : i32
      %mul3A_34 = arith.muli %mul3A_33, %scan3A_32 : i32
      %add3A_35 = arith.constant 1 : i32
      %add3A_36 = arith.addi %mul3A_34, %add3A_35 : i32
      %dma_start3A_37 = arith.constant 0 : i32
      %dma_start3A_38 = tpu.memref_slice %arg7[%add3A_36, %dma_start3A_37] : memref<40x128xi32, #tpu.memory_space<vmem>> -> memref<1x128xi32, #tpu.memory_space<vmem>>
      %dma_start3A_39 = tpu.memref_squeeze %dma_start3A_38 : memref<1x128xi32, #tpu.memory_space<vmem>> -> memref<128xi32, #tpu.memory_space<vmem>>
      %dma_start3A_40 = arith.constant 0 : i32
      %dma_start3A_41 = arith.constant 0 : i32
      %dma_start3A_42 = tpu.memref_slice %arg4[%dma_start3A_40, %dma_start3A_41] : memref<10240x128xf32, #tpu.memory_space<hbm>> -> memref<10240x128xf32, #tpu.memory_space<hbm>>
      tpu.enqueue_indirect_dma source(%dma_start3A_42 : memref<10240x128xf32, #tpu.memory_space<hbm>>) target(%arg10 : memref<128x128xf32, #tpu.memory_space<vmem>>) offsets(%dma_start3A_39 : memref<128xi32, #tpu.memory_space<vmem>>) semaphore(%arg13 : memref<!tpu.dma_semaphore, #tpu.memory_space<semaphore_mem>>)
      %dma_wait3A = arith.constant 0 : i32
      %dma_wait3A_43 = tpu.memref_slice %arg7[%mul3A_34, %dma_wait3A] : memref<40x128xi32, #tpu.memory_space<vmem>> -> memref<1x128xi32, #tpu.memory_space<vmem>>
      %dma_wait3A_44 = tpu.memref_squeeze %dma_wait3A_43 : memref<1x128xi32, #tpu.memory_space<vmem>> -> memref<128xi32, #tpu.memory_space<vmem>>
      %dma_wait3A_45 = arith.constant 0 : i32
      %dma_wait3A_46 = arith.constant 0 : i32
      %dma_wait3A_47 = tpu.memref_slice %arg4[%dma_wait3A_45, %dma_wait3A_46] : memref<10240x128xf32, #tpu.memory_space<hbm>> -> memref<10240x128xf32, #tpu.memory_space<hbm>>
      tpu.wait_indirect_dma semaphore(%arg12 : memref<!tpu.dma_semaphore, #tpu.memory_space<semaphore_mem>>) src(%dma_wait3A_47 : memref<10240x128xf32, #tpu.memory_space<hbm>>) dst(%arg9 : memref<128x128xf32, #tpu.memory_space<vmem>>)
      "tpu.region"() ({
        %run_scoped3A = tpu.sem_alloc : memref<!tpu.dma_semaphore, #tpu.memory_space<semaphore_mem>>
        %dma_start3A_56 = arith.constant 0 : i32
        %dma_start3A_57 = tpu.memref_slice %arg8[%mul3A_34, %dma_start3A_56] : memref<40x128xi32, #tpu.memory_space<vmem>> -> memref<1x128xi32, #tpu.memory_space<vmem>>
        %dma_start3A_58 = tpu.memref_squeeze %dma_start3A_57 : memref<1x128xi32, #tpu.memory_space<vmem>> -> memref<128xi32, #tpu.memory_space<vmem>>
        %dma_start3A_59 = arith.constant 0 : i32
        %dma_start3A_60 = arith.constant 0 : i32
        %dma_start3A_61 = tpu.memref_slice %arg11[%dma_start3A_59, %dma_start3A_60] : memref<10240x128xf32, #tpu.memory_space<vmem_shared>> -> memref<10240x128xf32, #tpu.memory_space<vmem_shared>>
        tpu.enqueue_indirect_dma source(%arg9 : memref<128x128xf32, #tpu.memory_space<vmem>>) target(%dma_start3A_61 : memref<10240x128xf32, #tpu.memory_space<vmem_shared>>) offsets(%dma_start3A_58 : memref<128xi32, #tpu.memory_space<vmem>>) semaphore(%run_scoped3A : memref<!tpu.dma_semaphore, #tpu.memory_space<semaphore_mem>>) {add = true}
        %dma_wait3A_62 = arith.constant 0 : i32
        %dma_wait3A_63 = tpu.memref_slice %arg8[%mul3A_34, %dma_wait3A_62] : memref<40x128xi32, #tpu.memory_space<vmem>> -> memref<1x128xi32, #tpu.memory_space<vmem>>
        %dma_wait3A_64 = tpu.memref_squeeze %dma_wait3A_63 : memref<1x128xi32, #tpu.memory_space<vmem>> -> memref<128xi32, #tpu.memory_space<vmem>>
        %dma_wait3A_65 = arith.constant 0 : i32
        %dma_wait3A_66 = arith.constant 0 : i32
        %dma_wait3A_67 = tpu.memref_slice %arg11[%dma_wait3A_65, %dma_wait3A_66] : memref<10240x128xf32, #tpu.memory_space<vmem_shared>> -> memref<10240x128xf32, #tpu.memory_space<vmem_shared>>
        tpu.wait_indirect_dma semaphore(%run_scoped3A : memref<!tpu.dma_semaphore, #tpu.memory_space<semaphore_mem>>) src(%arg9 : memref<128x128xf32, #tpu.memory_space<vmem>>) dst(%dma_wait3A_67 : memref<10240x128xf32, #tpu.memory_space<vmem_shared>>)
        tpu.yield
      }) : () -> ()
      %lt3A = arith.constant 19 : i32
      %lt3A_48 = arith.cmpi slt, %scan3A_32, %lt3A : i32
      %convert_element_type3A = arith.extui %lt3A_48 : i1 to i32
      %cond3A = arith.constant 0 : i32
      %cond3A_49 = arith.cmpi ne, %convert_element_type3A, %cond3A : i32
      scf.if %cond3A_49 {
        %add3A_56 = arith.constant 2 : i32
        %add3A_57 = arith.addi %mul3A_34, %add3A_56 : i32
        %dma_start3A_58 = arith.constant 0 : i32
        %dma_start3A_59 = tpu.memref_slice %arg7[%add3A_57, %dma_start3A_58] : memref<40x128xi32, #tpu.memory_space<vmem>> -> memref<1x128xi32, #tpu.memory_space<vmem>>
        %dma_start3A_60 = tpu.memref_squeeze %dma_start3A_59 : memref<1x128xi32, #tpu.memory_space<vmem>> -> memref<128xi32, #tpu.memory_space<vmem>>
        %dma_start3A_61 = arith.constant 0 : i32
        %dma_start3A_62 = arith.constant 0 : i32
        %dma_start3A_63 = tpu.memref_slice %arg4[%dma_start3A_61, %dma_start3A_62] : memref<10240x128xf32, #tpu.memory_space<hbm>> -> memref<10240x128xf32, #tpu.memory_space<hbm>>
        tpu.enqueue_indirect_dma source(%dma_start3A_63 : memref<10240x128xf32, #tpu.memory_space<hbm>>) target(%arg9 : memref<128x128xf32, #tpu.memory_space<vmem>>) offsets(%dma_start3A_60 : memref<128xi32, #tpu.memory_space<vmem>>) semaphore(%arg12 : memref<!tpu.dma_semaphore, #tpu.memory_space<semaphore_mem>>)
      } else {
      }
      %dma_wait3A_50 = arith.constant 0 : i32
      %dma_wait3A_51 = tpu.memref_slice %arg7[%add3A_36, %dma_wait3A_50] : memref<40x128xi32, #tpu.memory_space<vmem>> -> memref<1x128xi32, #tpu.memory_space<vmem>>
      %dma_wait3A_52 = tpu.memref_squeeze %dma_wait3A_51 : memref<1x128xi32, #tpu.memory_space<vmem>> -> memref<128xi32, #tpu.memory_space<vmem>>
      %dma_wait3A_53 = arith.constant 0 : i32
      %dma_wait3A_54 = arith.constant 0 : i32
      %dma_wait3A_55 = tpu.memref_slice %arg4[%dma_wait3A_53, %dma_wait3A_54] : memref<10240x128xf32, #tpu.memory_space<hbm>> -> memref<10240x128xf32, #tpu.memory_space<hbm>>
      tpu.wait_indirect_dma semaphore(%arg13 : memref<!tpu.dma_semaphore, #tpu.memory_space<semaphore_mem>>) src(%dma_wait3A_55 : memref<10240x128xf32, #tpu.memory_space<hbm>>) dst(%arg10 : memref<128x128xf32, #tpu.memory_space<vmem>>)
      "tpu.region"() ({
        %run_scoped3A = tpu.sem_alloc : memref<!tpu.dma_semaphore, #tpu.memory_space<semaphore_mem>>
        %dma_start3A_56 = arith.constant 0 : i32
        %dma_start3A_57 = tpu.memref_slice %arg8[%add3A_36, %dma_start3A_56] : memref<40x128xi32, #tpu.memory_space<vmem>> -> memref<1x128xi32, #tpu.memory_space<vmem>>
        %dma_start3A_58 = tpu.memref_squeeze %dma_start3A_57 : memref<1x128xi32, #tpu.memory_space<vmem>> -> memref<128xi32, #tpu.memory_space<vmem>>
        %dma_start3A_59 = arith.constant 0 : i32
        %dma_start3A_60 = arith.constant 0 : i32
        %dma_start3A_61 = tpu.memref_slice %arg11[%dma_start3A_59, %dma_start3A_60] : memref<10240x128xf32, #tpu.memory_space<vmem_shared>> -> memref<10240x128xf32, #tpu.memory_space<vmem_shared>>
        tpu.enqueue_indirect_dma source(%arg10 : memref<128x128xf32, #tpu.memory_space<vmem>>) target(%dma_start3A_61 : memref<10240x128xf32, #tpu.memory_space<vmem_shared>>) offsets(%dma_start3A_58 : memref<128xi32, #tpu.memory_space<vmem>>) semaphore(%run_scoped3A : memref<!tpu.dma_semaphore, #tpu.memory_space<semaphore_mem>>) {add = true}
        %dma_wait3A_62 = arith.constant 0 : i32
        %dma_wait3A_63 = tpu.memref_slice %arg8[%add3A_36, %dma_wait3A_62] : memref<40x128xi32, #tpu.memory_space<vmem>> -> memref<1x128xi32, #tpu.memory_space<vmem>>
        %dma_wait3A_64 = tpu.memref_squeeze %dma_wait3A_63 : memref<1x128xi32, #tpu.memory_space<vmem>> -> memref<128xi32, #tpu.memory_space<vmem>>
        %dma_wait3A_65 = arith.constant 0 : i32
        %dma_wait3A_66 = arith.constant 0 : i32
        %dma_wait3A_67 = tpu.memref_slice %arg11[%dma_wait3A_65, %dma_wait3A_66] : memref<10240x128xf32, #tpu.memory_space<vmem_shared>> -> memref<10240x128xf32, #tpu.memory_space<vmem_shared>>
        tpu.wait_indirect_dma semaphore(%run_scoped3A : memref<!tpu.dma_semaphore, #tpu.memory_space<semaphore_mem>>) src(%arg10 : memref<128x128xf32, #tpu.memory_space<vmem>>) dst(%dma_wait3A_67 : memref<10240x128xf32, #tpu.memory_space<vmem_shared>>)
        tpu.yield
      }) : () -> ()
    }
    %scan3A_13 = arith.constant 20 : i32
    "tpu.region"() ({
      %run_scoped3A = tpu.sem_alloc : memref<!tpu.dma_semaphore, #tpu.memory_space<semaphore_mem>>
      %dma_start3A_32 = arith.constant 40 : i32
      %dma_start3A_33 = arith.constant 0 : i32
      %dma_start3A_34 = tpu.memref_slice %arg2[%add3A, %dma_start3A_32, %dma_start3A_33] : memref<32x80x128xi32, #tpu.memory_space<hbm>> -> memref<1x40x128xi32, #tpu.memory_space<hbm>>
      %dma_start3A_35 = tpu.memref_squeeze %dma_start3A_34 : memref<1x40x128xi32, #tpu.memory_space<hbm>> -> memref<40x128xi32, #tpu.memory_space<hbm>>
      %dma_start3A_36 = arith.constant 40 : i32
      %dma_start3A_37 = arith.constant 0 : i32
      %dma_start3A_38 = tpu.memref_slice %arg2[%add3A, %dma_start3A_36, %dma_start3A_37] : memref<32x80x128xi32, #tpu.memory_space<hbm>> -> memref<1x40x128xi32, #tpu.memory_space<hbm>>
      %dma_start3A_39 = tpu.memref_squeeze %dma_start3A_38 : memref<1x40x128xi32, #tpu.memory_space<hbm>> -> memref<40x128xi32, #tpu.memory_space<hbm>>
      tpu.enqueue_dma source(%dma_start3A_39 : memref<40x128xi32, #tpu.memory_space<hbm>>) target(%arg7 : memref<40x128xi32, #tpu.memory_space<vmem>>) target_semaphore(%run_scoped3A : memref<!tpu.dma_semaphore, #tpu.memory_space<semaphore_mem>>)
      %dma_wait3A = arith.constant 40 : i32
      %dma_wait3A_40 = arith.constant 0 : i32
      %dma_wait3A_41 = tpu.memref_slice %arg2[%add3A, %dma_wait3A, %dma_wait3A_40] : memref<32x80x128xi32, #tpu.memory_space<hbm>> -> memref<1x40x128xi32, #tpu.memory_space<hbm>>
      %dma_wait3A_42 = tpu.memref_squeeze %dma_wait3A_41 : memref<1x40x128xi32, #tpu.memory_space<hbm>> -> memref<40x128xi32, #tpu.memory_space<hbm>>
      %dma_wait3A_43 = arith.constant 40 : i32
      %dma_wait3A_44 = arith.constant 0 : i32
      %dma_wait3A_45 = tpu.memref_slice %arg2[%add3A, %dma_wait3A_43, %dma_wait3A_44] : memref<32x80x128xi32, #tpu.memory_space<hbm>> -> memref<1x40x128xi32, #tpu.memory_space<hbm>>
      %dma_wait3A_46 = tpu.memref_squeeze %dma_wait3A_45 : memref<1x40x128xi32, #tpu.memory_space<hbm>> -> memref<40x128xi32, #tpu.memory_space<hbm>>
      tpu.wait_dma2 semaphore(%run_scoped3A : memref<!tpu.dma_semaphore, #tpu.memory_space<semaphore_mem>>) src(%dma_wait3A_46 : memref<40x128xi32, #tpu.memory_space<hbm>>) dst(%arg7 : memref<40x128xi32, #tpu.memory_space<vmem>>)
      tpu.yield
    }) : () -> ()
    "tpu.region"() ({
      %run_scoped3A = tpu.sem_alloc : memref<!tpu.dma_semaphore, #tpu.memory_space<semaphore_mem>>
      %dma_start3A_32 = arith.constant 40 : i32
      %dma_start3A_33 = arith.constant 0 : i32
      %dma_start3A_34 = tpu.memref_slice %arg3[%add3A, %dma_start3A_32, %dma_start3A_33] : memref<32x80x128xi32, #tpu.memory_space<hbm>> -> memref<1x40x128xi32, #tpu.memory_space<hbm>>
      %dma_start3A_35 = tpu.memref_squeeze %dma_start3A_34 : memref<1x40x128xi32, #tpu.memory_space<hbm>> -> memref<40x128xi32, #tpu.memory_space<hbm>>
      %dma_start3A_36 = arith.constant 40 : i32
      %dma_start3A_37 = arith.constant 0 : i32
      %dma_start3A_38 = tpu.memref_slice %arg3[%add3A, %dma_start3A_36, %dma_start3A_37] : memref<32x80x128xi32, #tpu.memory_space<hbm>> -> memref<1x40x128xi32, #tpu.memory_space<hbm>>
      %dma_start3A_39 = tpu.memref_squeeze %dma_start3A_38 : memref<1x40x128xi32, #tpu.memory_space<hbm>> -> memref<40x128xi32, #tpu.memory_space<hbm>>
      tpu.enqueue_dma source(%dma_start3A_39 : memref<40x128xi32, #tpu.memory_space<hbm>>) target(%arg8 : memref<40x128xi32, #tpu.memory_space<vmem>>) target_semaphore(%run_scoped3A : memref<!tpu.dma_semaphore, #tpu.memory_space<semaphore_mem>>)
      %dma_wait3A = arith.constant 40 : i32
      %dma_wait3A_40 = arith.constant 0 : i32
      %dma_wait3A_41 = tpu.memref_slice %arg3[%add3A, %dma_wait3A, %dma_wait3A_40] : memref<32x80x128xi32, #tpu.memory_space<hbm>> -> memref<1x40x128xi32, #tpu.memory_space<hbm>>
      %dma_wait3A_42 = tpu.memref_squeeze %dma_wait3A_41 : memref<1x40x128xi32, #tpu.memory_space<hbm>> -> memref<40x128xi32, #tpu.memory_space<hbm>>
      %dma_wait3A_43 = arith.constant 40 : i32
      %dma_wait3A_44 = arith.constant 0 : i32
      %dma_wait3A_45 = tpu.memref_slice %arg3[%add3A, %dma_wait3A_43, %dma_wait3A_44] : memref<32x80x128xi32, #tpu.memory_space<hbm>> -> memref<1x40x128xi32, #tpu.memory_space<hbm>>
      %dma_wait3A_46 = tpu.memref_squeeze %dma_wait3A_45 : memref<1x40x128xi32, #tpu.memory_space<hbm>> -> memref<40x128xi32, #tpu.memory_space<hbm>>
      tpu.wait_dma2 semaphore(%run_scoped3A : memref<!tpu.dma_semaphore, #tpu.memory_space<semaphore_mem>>) src(%dma_wait3A_46 : memref<40x128xi32, #tpu.memory_space<hbm>>) dst(%arg8 : memref<40x128xi32, #tpu.memory_space<vmem>>)
      tpu.yield
    }) : () -> ()
    %dma_start3A_14 = arith.constant 0 : i32
    %dma_start3A_15 = arith.constant 0 : i32
    %dma_start3A_16 = tpu.memref_slice %arg7[%dma_start3A_14, %dma_start3A_15] : memref<40x128xi32, #tpu.memory_space<vmem>> -> memref<1x128xi32, #tpu.memory_space<vmem>>
    %dma_start3A_17 = tpu.memref_squeeze %dma_start3A_16 : memref<1x128xi32, #tpu.memory_space<vmem>> -> memref<128xi32, #tpu.memory_space<vmem>>
    %dma_start3A_18 = arith.constant 0 : i32
    %dma_start3A_19 = arith.constant 0 : i32
    %dma_start3A_20 = tpu.memref_slice %arg4[%dma_start3A_18, %dma_start3A_19] : memref<10240x128xf32, #tpu.memory_space<hbm>> -> memref<10240x128xf32, #tpu.memory_space<hbm>>
    tpu.enqueue_indirect_dma source(%dma_start3A_20 : memref<10240x128xf32, #tpu.memory_space<hbm>>) target(%arg9 : memref<128x128xf32, #tpu.memory_space<vmem>>) offsets(%dma_start3A_17 : memref<128xi32, #tpu.memory_space<vmem>>) semaphore(%arg12 : memref<!tpu.dma_semaphore, #tpu.memory_space<semaphore_mem>>)
    %scan3A_21 = arith.constant 0 : i32
    %scan3A_22 = arith.constant 0 : i32
    %scan3A_23 = arith.constant 20 : i32
    %scan3A_24 = arith.addi %scan3A_22, %scan3A_23 : i32
    %scan3A_25 = arith.constant 1 : i32
    scf.for %scan3A_32 = %scan3A_22 to %scan3A_24 step %scan3A_25  : i32 {
      %mul3A_33 = arith.constant 2 : i32
      %mul3A_34 = arith.muli %mul3A_33, %scan3A_32 : i32
      %add3A_35 = arith.constant 1 : i32
      %add3A_36 = arith.addi %mul3A_34, %add3A_35 : i32
      %dma_start3A_37 = arith.constant 0 : i32
      %dma_start3A_38 = tpu.memref_slice %arg7[%add3A_36, %dma_start3A_37] : memref<40x128xi32, #tpu.memory_space<vmem>> -> memref<1x128xi32, #tpu.memory_space<vmem>>
      %dma_start3A_39 = tpu.memref_squeeze %dma_start3A_38 : memref<1x128xi32, #tpu.memory_space<vmem>> -> memref<128xi32, #tpu.memory_space<vmem>>
      %dma_start3A_40 = arith.constant 0 : i32
      %dma_start3A_41 = arith.constant 0 : i32
      %dma_start3A_42 = tpu.memref_slice %arg4[%dma_start3A_40, %dma_start3A_41] : memref<10240x128xf32, #tpu.memory_space<hbm>> -> memref<10240x128xf32, #tpu.memory_space<hbm>>
      tpu.enqueue_indirect_dma source(%dma_start3A_42 : memref<10240x128xf32, #tpu.memory_space<hbm>>) target(%arg10 : memref<128x128xf32, #tpu.memory_space<vmem>>) offsets(%dma_start3A_39 : memref<128xi32, #tpu.memory_space<vmem>>) semaphore(%arg13 : memref<!tpu.dma_semaphore, #tpu.memory_space<semaphore_mem>>)
      %dma_wait3A = arith.constant 0 : i32
      %dma_wait3A_43 = tpu.memref_slice %arg7[%mul3A_34, %dma_wait3A] : memref<40x128xi32, #tpu.memory_space<vmem>> -> memref<1x128xi32, #tpu.memory_space<vmem>>
      %dma_wait3A_44 = tpu.memref_squeeze %dma_wait3A_43 : memref<1x128xi32, #tpu.memory_space<vmem>> -> memref<128xi32, #tpu.memory_space<vmem>>
      %dma_wait3A_45 = arith.constant 0 : i32
      %dma_wait3A_46 = arith.constant 0 : i32
      %dma_wait3A_47 = tpu.memref_slice %arg4[%dma_wait3A_45, %dma_wait3A_46] : memref<10240x128xf32, #tpu.memory_space<hbm>> -> memref<10240x128xf32, #tpu.memory_space<hbm>>
      tpu.wait_indirect_dma semaphore(%arg12 : memref<!tpu.dma_semaphore, #tpu.memory_space<semaphore_mem>>) src(%dma_wait3A_47 : memref<10240x128xf32, #tpu.memory_space<hbm>>) dst(%arg9 : memref<128x128xf32, #tpu.memory_space<vmem>>)
      "tpu.region"() ({
        %run_scoped3A = tpu.sem_alloc : memref<!tpu.dma_semaphore, #tpu.memory_space<semaphore_mem>>
        %dma_start3A_56 = arith.constant 0 : i32
        %dma_start3A_57 = tpu.memref_slice %arg8[%mul3A_34, %dma_start3A_56] : memref<40x128xi32, #tpu.memory_space<vmem>> -> memref<1x128xi32, #tpu.memory_space<vmem>>
        %dma_start3A_58 = tpu.memref_squeeze %dma_start3A_57 : memref<1x128xi32, #tpu.memory_space<vmem>> -> memref<128xi32, #tpu.memory_space<vmem>>
        %dma_start3A_59 = arith.constant 0 : i32
        %dma_start3A_60 = arith.constant 0 : i32
        %dma_start3A_61 = tpu.memref_slice %arg11[%dma_start3A_59, %dma_start3A_60] : memref<10240x128xf32, #tpu.memory_space<vmem_shared>> -> memref<10240x128xf32, #tpu.memory_space<vmem_shared>>
        tpu.enqueue_indirect_dma source(%arg9 : memref<128x128xf32, #tpu.memory_space<vmem>>) target(%dma_start3A_61 : memref<10240x128xf32, #tpu.memory_space<vmem_shared>>) offsets(%dma_start3A_58 : memref<128xi32, #tpu.memory_space<vmem>>) semaphore(%run_scoped3A : memref<!tpu.dma_semaphore, #tpu.memory_space<semaphore_mem>>) {add = true}
        %dma_wait3A_62 = arith.constant 0 : i32
        %dma_wait3A_63 = tpu.memref_slice %arg8[%mul3A_34, %dma_wait3A_62] : memref<40x128xi32, #tpu.memory_space<vmem>> -> memref<1x128xi32, #tpu.memory_space<vmem>>
        %dma_wait3A_64 = tpu.memref_squeeze %dma_wait3A_63 : memref<1x128xi32, #tpu.memory_space<vmem>> -> memref<128xi32, #tpu.memory_space<vmem>>
        %dma_wait3A_65 = arith.constant 0 : i32
        %dma_wait3A_66 = arith.constant 0 : i32
        %dma_wait3A_67 = tpu.memref_slice %arg11[%dma_wait3A_65, %dma_wait3A_66] : memref<10240x128xf32, #tpu.memory_space<vmem_shared>> -> memref<10240x128xf32, #tpu.memory_space<vmem_shared>>
        tpu.wait_indirect_dma semaphore(%run_scoped3A : memref<!tpu.dma_semaphore, #tpu.memory_space<semaphore_mem>>) src(%arg9 : memref<128x128xf32, #tpu.memory_space<vmem>>) dst(%dma_wait3A_67 : memref<10240x128xf32, #tpu.memory_space<vmem_shared>>)
        tpu.yield
      }) : () -> ()
      %lt3A = arith.constant 19 : i32
      %lt3A_48 = arith.cmpi slt, %scan3A_32, %lt3A : i32
      %convert_element_type3A = arith.extui %lt3A_48 : i1 to i32
      %cond3A = arith.constant 0 : i32
      %cond3A_49 = arith.cmpi ne, %convert_element_type3A, %cond3A : i32
      scf.if %cond3A_49 {
        %add3A_56 = arith.constant 2 : i32
        %add3A_57 = arith.addi %mul3A_34, %add3A_56 : i32
        %dma_start3A_58 = arith.constant 0 : i32
        %dma_start3A_59 = tpu.memref_slice %arg7[%add3A_57, %dma_start3A_58] : memref<40x128xi32, #tpu.memory_space<vmem>> -> memref<1x128xi32, #tpu.memory_space<vmem>>
        %dma_start3A_60 = tpu.memref_squeeze %dma_start3A_59 : memref<1x128xi32, #tpu.memory_space<vmem>> -> memref<128xi32, #tpu.memory_space<vmem>>
        %dma_start3A_61 = arith.constant 0 : i32
        %dma_start3A_62 = arith.constant 0 : i32
        %dma_start3A_63 = tpu.memref_slice %arg4[%dma_start3A_61, %dma_start3A_62] : memref<10240x128xf32, #tpu.memory_space<hbm>> -> memref<10240x128xf32, #tpu.memory_space<hbm>>
        tpu.enqueue_indirect_dma source(%dma_start3A_63 : memref<10240x128xf32, #tpu.memory_space<hbm>>) target(%arg9 : memref<128x128xf32, #tpu.memory_space<vmem>>) offsets(%dma_start3A_60 : memref<128xi32, #tpu.memory_space<vmem>>) semaphore(%arg12 : memref<!tpu.dma_semaphore, #tpu.memory_space<semaphore_mem>>)
      } else {
      }
      %dma_wait3A_50 = arith.constant 0 : i32
      %dma_wait3A_51 = tpu.memref_slice %arg7[%add3A_36, %dma_wait3A_50] : memref<40x128xi32, #tpu.memory_space<vmem>> -> memref<1x128xi32, #tpu.memory_space<vmem>>
      %dma_wait3A_52 = tpu.memref_squeeze %dma_wait3A_51 : memref<1x128xi32, #tpu.memory_space<vmem>> -> memref<128xi32, #tpu.memory_space<vmem>>
      %dma_wait3A_53 = arith.constant 0 : i32
      %dma_wait3A_54 = arith.constant 0 : i32
      %dma_wait3A_55 = tpu.memref_slice %arg4[%dma_wait3A_53, %dma_wait3A_54] : memref<10240x128xf32, #tpu.memory_space<hbm>> -> memref<10240x128xf32, #tpu.memory_space<hbm>>
      tpu.wait_indirect_dma semaphore(%arg13 : memref<!tpu.dma_semaphore, #tpu.memory_space<semaphore_mem>>) src(%dma_wait3A_55 : memref<10240x128xf32, #tpu.memory_space<hbm>>) dst(%arg10 : memref<128x128xf32, #tpu.memory_space<vmem>>)
      "tpu.region"() ({
        %run_scoped3A = tpu.sem_alloc : memref<!tpu.dma_semaphore, #tpu.memory_space<semaphore_mem>>
        %dma_start3A_56 = arith.constant 0 : i32
        %dma_start3A_57 = tpu.memref_slice %arg8[%add3A_36, %dma_start3A_56] : memref<40x128xi32, #tpu.memory_space<vmem>> -> memref<1x128xi32, #tpu.memory_space<vmem>>
        %dma_start3A_58 = tpu.memref_squeeze %dma_start3A_57 : memref<1x128xi32, #tpu.memory_space<vmem>> -> memref<128xi32, #tpu.memory_space<vmem>>
        %dma_start3A_59 = arith.constant 0 : i32
        %dma_start3A_60 = arith.constant 0 : i32
        %dma_start3A_61 = tpu.memref_slice %arg11[%dma_start3A_59, %dma_start3A_60] : memref<10240x128xf32, #tpu.memory_space<vmem_shared>> -> memref<10240x128xf32, #tpu.memory_space<vmem_shared>>
        tpu.enqueue_indirect_dma source(%arg10 : memref<128x128xf32, #tpu.memory_space<vmem>>) target(%dma_start3A_61 : memref<10240x128xf32, #tpu.memory_space<vmem_shared>>) offsets(%dma_start3A_58 : memref<128xi32, #tpu.memory_space<vmem>>) semaphore(%run_scoped3A : memref<!tpu.dma_semaphore, #tpu.memory_space<semaphore_mem>>) {add = true}
        %dma_wait3A_62 = arith.constant 0 : i32
        %dma_wait3A_63 = tpu.memref_slice %arg8[%add3A_36, %dma_wait3A_62] : memref<40x128xi32, #tpu.memory_space<vmem>> -> memref<1x128xi32, #tpu.memory_space<vmem>>
        %dma_wait3A_64 = tpu.memref_squeeze %dma_wait3A_63 : memref<1x128xi32, #tpu.memory_space<vmem>> -> memref<128xi32, #tpu.memory_space<vmem>>
        %dma_wait3A_65 = arith.constant 0 : i32
        %dma_wait3A_66 = arith.constant 0 : i32
        %dma_wait3A_67 = tpu.memref_slice %arg11[%dma_wait3A_65, %dma_wait3A_66] : memref<10240x128xf32, #tpu.memory_space<vmem_shared>> -> memref<10240x128xf32, #tpu.memory_space<vmem_shared>>
        tpu.wait_indirect_dma semaphore(%run_scoped3A : memref<!tpu.dma_semaphore, #tpu.memory_space<semaphore_mem>>) src(%arg10 : memref<128x128xf32, #tpu.memory_space<vmem>>) dst(%dma_wait3A_67 : memref<10240x128xf32, #tpu.memory_space<vmem_shared>>)
        tpu.yield
      }) : () -> ()
    }
    %scan3A_26 = arith.constant 20 : i32
    %barrier3A_27 = arith.constant 0 : index
    tpu.barrier barrier_id(%barrier3A_27)
    %mul3A_28 = arith.constant 640 : i32
    %mul3A_29 = arith.muli %arg1, %mul3A_28 : i32
    %mul3A_30 = arith.constant 640 : i32
    %mul3A_31 = arith.muli %arg1, %mul3A_30 : i32
    "tpu.region"() ({
      %run_scoped3A = tpu.sem_alloc : memref<!tpu.dma_semaphore, #tpu.memory_space<semaphore_mem>>
      %dma_start3A_32 = arith.constant 0 : i32
      %dma_start3A_33 = tpu.memref_slice %arg6[%arg0, %mul3A_31, %dma_start3A_32] : memref<2x10240x128xf32, #tpu.memory_space<hbm>> -> memref<1x640x128xf32, #tpu.memory_space<hbm>>
      %dma_start3A_34 = tpu.memref_squeeze %dma_start3A_33 : memref<1x640x128xf32, #tpu.memory_space<hbm>> -> memref<640x128xf32, #tpu.memory_space<hbm>>
      %dma_start3A_35 = arith.constant 0 : i32
      %dma_start3A_36 = tpu.memref_slice %arg11[%mul3A_29, %dma_start3A_35] : memref<10240x128xf32, #tpu.memory_space<vmem_shared>> -> memref<640x128xf32, #tpu.memory_space<vmem_shared>>
      tpu.enqueue_dma source(%dma_start3A_36 : memref<640x128xf32, #tpu.memory_space<vmem_shared>>) target(%dma_start3A_34 : memref<640x128xf32, #tpu.memory_space<hbm>>) target_semaphore(%run_scoped3A : memref<!tpu.dma_semaphore, #tpu.memory_space<semaphore_mem>>)
      %dma_wait3A = arith.constant 0 : i32
      %dma_wait3A_37 = tpu.memref_slice %arg6[%arg0, %mul3A_31, %dma_wait3A] : memref<2x10240x128xf32, #tpu.memory_space<hbm>> -> memref<1x640x128xf32, #tpu.memory_space<hbm>>
      %dma_wait3A_38 = tpu.memref_squeeze %dma_wait3A_37 : memref<1x640x128xf32, #tpu.memory_space<hbm>> -> memref<640x128xf32, #tpu.memory_space<hbm>>
      %dma_wait3A_39 = arith.constant 0 : i32
      %dma_wait3A_40 = tpu.memref_slice %arg11[%mul3A_29, %dma_wait3A_39] : memref<10240x128xf32, #tpu.memory_space<vmem_shared>> -> memref<640x128xf32, #tpu.memory_space<vmem_shared>>
      tpu.wait_dma2 semaphore(%run_scoped3A : memref<!tpu.dma_semaphore, #tpu.memory_space<semaphore_mem>>) src(%dma_wait3A_40 : memref<640x128xf32, #tpu.memory_space<vmem_shared>>) dst(%dma_wait3A_38 : memref<640x128xf32, #tpu.memory_space<hbm>>)
      tpu.yield
    }) : () -> ()
    return
  }
}

#map = affine_map<(d0, d1) -> (0, 0, 0)>
#map1 = affine_map<(d0, d1) -> (0, 0)>
module attributes {stable_mosaic.version = 14 : i64} {
  func.func @_deg_body(%arg0: i32, %arg1: i32, %arg2: memref<32x80x128xi32, #tpu.memory_space<hbm>>, %arg3: memref<32x80x128xi32, #tpu.memory_space<hbm>>, %arg4: memref<128x128xf32, #tpu.memory_space<hbm>>, %arg5: memref<8x128xf32, #tpu.memory_space<hbm>>, %arg6: memref<2x80x128xf32, #tpu.memory_space<hbm>>, %arg7: memref<80x128xi32, #tpu.memory_space<vmem>>, %arg8: memref<80x128xi32, #tpu.memory_space<vmem>>, %arg9: memref<128x128xf32, #tpu.memory_space<vmem>>, %arg10: memref<128x128xf32, #tpu.memory_space<vmem>>, %arg11: memref<80x128xf32, #tpu.memory_space<vmem_shared>>, %arg12: memref<!tpu.dma_semaphore, #tpu.memory_space<semaphore_mem>>, %arg13: memref<!tpu.dma_semaphore, #tpu.memory_space<semaphore_mem>>) attributes {dimension_semantics = [#tpu.dimension_semantics<core_parallel>, #tpu.dimension_semantics<subcore_parallel>], iteration_bounds = array<i64: 2, 16>, scalar_prefetch = 0 : i64, scratch_operands = 7 : i64, tpu.core_type = #tpu.core_type<sc_vector_subcore>, window_params = [{transform_indices = #map}, {transform_indices = #map}, {transform_indices = #map1}, {transform_indices = #map1}, {transform_indices = #map}]} {
    %mul3A = arith.constant 16 : i32
    %mul3A_0 = arith.muli %arg0, %mul3A : i32
    %add3A = arith.addi %mul3A_0, %arg1 : i32
    %lt3A = arith.constant 10 : i32
    %lt3A_1 = arith.cmpi slt, %arg1, %lt3A : i32
    %convert_element_type3A = arith.extui %lt3A_1 : i1 to i32
    %cond3A = arith.constant 0 : i32
    %cond3A_2 = arith.cmpi ne, %convert_element_type3A, %cond3A : i32
    scf.if %cond3A_2 {
      %mul3A_20 = arith.constant 8 : i32
      %mul3A_21 = arith.muli %arg1, %mul3A_20 : i32
      "tpu.region"() ({
        %run_scoped3A = tpu.sem_alloc : memref<!tpu.dma_semaphore, #tpu.memory_space<semaphore_mem>>
        %dma_start3A_22 = arith.constant 0 : i32
        %dma_start3A_23 = tpu.memref_slice %arg11[%mul3A_21, %dma_start3A_22] : memref<80x128xf32, #tpu.memory_space<vmem_shared>> -> memref<8x128xf32, #tpu.memory_space<vmem_shared>>
        tpu.enqueue_dma source(%arg5 : memref<8x128xf32, #tpu.memory_space<hbm>>) target(%dma_start3A_23 : memref<8x128xf32, #tpu.memory_space<vmem_shared>>) target_semaphore(%run_scoped3A : memref<!tpu.dma_semaphore, #tpu.memory_space<semaphore_mem>>)
        %dma_wait3A = arith.constant 0 : i32
        %dma_wait3A_24 = tpu.memref_slice %arg11[%mul3A_21, %dma_wait3A] : memref<80x128xf32, #tpu.memory_space<vmem_shared>> -> memref<8x128xf32, #tpu.memory_space<vmem_shared>>
        tpu.wait_dma2 semaphore(%run_scoped3A : memref<!tpu.dma_semaphore, #tpu.memory_space<semaphore_mem>>) src(%arg5 : memref<8x128xf32, #tpu.memory_space<hbm>>) dst(%dma_wait3A_24 : memref<8x128xf32, #tpu.memory_space<vmem_shared>>)
        tpu.yield
      }) : () -> ()
    } else {
    }
    "tpu.region"() ({
      %run_scoped3A = tpu.sem_alloc : memref<!tpu.dma_semaphore, #tpu.memory_space<semaphore_mem>>
      %dma_start3A_20 = arith.constant 0 : i32
      %dma_start3A_21 = arith.constant 0 : i32
      %dma_start3A_22 = tpu.memref_slice %arg2[%add3A, %dma_start3A_20, %dma_start3A_21] : memref<32x80x128xi32, #tpu.memory_space<hbm>> -> memref<1x80x128xi32, #tpu.memory_space<hbm>>
      %dma_start3A_23 = tpu.memref_squeeze %dma_start3A_22 : memref<1x80x128xi32, #tpu.memory_space<hbm>> -> memref<80x128xi32, #tpu.memory_space<hbm>>
      %dma_start3A_24 = arith.constant 0 : i32
      %dma_start3A_25 = arith.constant 0 : i32
      %dma_start3A_26 = tpu.memref_slice %arg2[%add3A, %dma_start3A_24, %dma_start3A_25] : memref<32x80x128xi32, #tpu.memory_space<hbm>> -> memref<1x80x128xi32, #tpu.memory_space<hbm>>
      %dma_start3A_27 = tpu.memref_squeeze %dma_start3A_26 : memref<1x80x128xi32, #tpu.memory_space<hbm>> -> memref<80x128xi32, #tpu.memory_space<hbm>>
      tpu.enqueue_dma source(%dma_start3A_27 : memref<80x128xi32, #tpu.memory_space<hbm>>) target(%arg7 : memref<80x128xi32, #tpu.memory_space<vmem>>) target_semaphore(%run_scoped3A : memref<!tpu.dma_semaphore, #tpu.memory_space<semaphore_mem>>)
      %dma_wait3A = arith.constant 0 : i32
      %dma_wait3A_28 = arith.constant 0 : i32
      %dma_wait3A_29 = tpu.memref_slice %arg2[%add3A, %dma_wait3A, %dma_wait3A_28] : memref<32x80x128xi32, #tpu.memory_space<hbm>> -> memref<1x80x128xi32, #tpu.memory_space<hbm>>
      %dma_wait3A_30 = tpu.memref_squeeze %dma_wait3A_29 : memref<1x80x128xi32, #tpu.memory_space<hbm>> -> memref<80x128xi32, #tpu.memory_space<hbm>>
      %dma_wait3A_31 = arith.constant 0 : i32
      %dma_wait3A_32 = arith.constant 0 : i32
      %dma_wait3A_33 = tpu.memref_slice %arg2[%add3A, %dma_wait3A_31, %dma_wait3A_32] : memref<32x80x128xi32, #tpu.memory_space<hbm>> -> memref<1x80x128xi32, #tpu.memory_space<hbm>>
      %dma_wait3A_34 = tpu.memref_squeeze %dma_wait3A_33 : memref<1x80x128xi32, #tpu.memory_space<hbm>> -> memref<80x128xi32, #tpu.memory_space<hbm>>
      tpu.wait_dma2 semaphore(%run_scoped3A : memref<!tpu.dma_semaphore, #tpu.memory_space<semaphore_mem>>) src(%dma_wait3A_34 : memref<80x128xi32, #tpu.memory_space<hbm>>) dst(%arg7 : memref<80x128xi32, #tpu.memory_space<vmem>>)
      tpu.yield
    }) : () -> ()
    "tpu.region"() ({
      %run_scoped3A = tpu.sem_alloc : memref<!tpu.dma_semaphore, #tpu.memory_space<semaphore_mem>>
      %dma_start3A_20 = arith.constant 0 : i32
      %dma_start3A_21 = arith.constant 0 : i32
      %dma_start3A_22 = tpu.memref_slice %arg3[%add3A, %dma_start3A_20, %dma_start3A_21] : memref<32x80x128xi32, #tpu.memory_space<hbm>> -> memref<1x80x128xi32, #tpu.memory_space<hbm>>
      %dma_start3A_23 = tpu.memref_squeeze %dma_start3A_22 : memref<1x80x128xi32, #tpu.memory_space<hbm>> -> memref<80x128xi32, #tpu.memory_space<hbm>>
      %dma_start3A_24 = arith.constant 0 : i32
      %dma_start3A_25 = arith.constant 0 : i32
      %dma_start3A_26 = tpu.memref_slice %arg3[%add3A, %dma_start3A_24, %dma_start3A_25] : memref<32x80x128xi32, #tpu.memory_space<hbm>> -> memref<1x80x128xi32, #tpu.memory_space<hbm>>
      %dma_start3A_27 = tpu.memref_squeeze %dma_start3A_26 : memref<1x80x128xi32, #tpu.memory_space<hbm>> -> memref<80x128xi32, #tpu.memory_space<hbm>>
      tpu.enqueue_dma source(%dma_start3A_27 : memref<80x128xi32, #tpu.memory_space<hbm>>) target(%arg8 : memref<80x128xi32, #tpu.memory_space<vmem>>) target_semaphore(%run_scoped3A : memref<!tpu.dma_semaphore, #tpu.memory_space<semaphore_mem>>)
      %dma_wait3A = arith.constant 0 : i32
      %dma_wait3A_28 = arith.constant 0 : i32
      %dma_wait3A_29 = tpu.memref_slice %arg3[%add3A, %dma_wait3A, %dma_wait3A_28] : memref<32x80x128xi32, #tpu.memory_space<hbm>> -> memref<1x80x128xi32, #tpu.memory_space<hbm>>
      %dma_wait3A_30 = tpu.memref_squeeze %dma_wait3A_29 : memref<1x80x128xi32, #tpu.memory_space<hbm>> -> memref<80x128xi32, #tpu.memory_space<hbm>>
      %dma_wait3A_31 = arith.constant 0 : i32
      %dma_wait3A_32 = arith.constant 0 : i32
      %dma_wait3A_33 = tpu.memref_slice %arg3[%add3A, %dma_wait3A_31, %dma_wait3A_32] : memref<32x80x128xi32, #tpu.memory_space<hbm>> -> memref<1x80x128xi32, #tpu.memory_space<hbm>>
      %dma_wait3A_34 = tpu.memref_squeeze %dma_wait3A_33 : memref<1x80x128xi32, #tpu.memory_space<hbm>> -> memref<80x128xi32, #tpu.memory_space<hbm>>
      tpu.wait_dma2 semaphore(%run_scoped3A : memref<!tpu.dma_semaphore, #tpu.memory_space<semaphore_mem>>) src(%dma_wait3A_34 : memref<80x128xi32, #tpu.memory_space<hbm>>) dst(%arg8 : memref<80x128xi32, #tpu.memory_space<vmem>>)
      tpu.yield
    }) : () -> ()
    %barrier3A = arith.constant 0 : index
    tpu.barrier barrier_id(%barrier3A)
    %dma_start3A = arith.constant 0 : i32
    %dma_start3A_3 = arith.constant 0 : i32
    %dma_start3A_4 = tpu.memref_slice %arg7[%dma_start3A, %dma_start3A_3] : memref<80x128xi32, #tpu.memory_space<vmem>> -> memref<1x128xi32, #tpu.memory_space<vmem>>
    %dma_start3A_5 = tpu.memref_squeeze %dma_start3A_4 : memref<1x128xi32, #tpu.memory_space<vmem>> -> memref<128xi32, #tpu.memory_space<vmem>>
    %dma_start3A_6 = arith.constant 0 : i32
    %dma_start3A_7 = arith.constant 0 : i32
    %dma_start3A_8 = tpu.memref_slice %arg4[%dma_start3A_6, %dma_start3A_7] : memref<128x128xf32, #tpu.memory_space<hbm>> -> memref<128x128xf32, #tpu.memory_space<hbm>>
    tpu.enqueue_indirect_dma source(%dma_start3A_8 : memref<128x128xf32, #tpu.memory_space<hbm>>) target(%arg9 : memref<128x128xf32, #tpu.memory_space<vmem>>) offsets(%dma_start3A_5 : memref<128xi32, #tpu.memory_space<vmem>>) semaphore(%arg12 : memref<!tpu.dma_semaphore, #tpu.memory_space<semaphore_mem>>)
    %scan3A = arith.constant 0 : i32
    %scan3A_9 = arith.constant 0 : i32
    %scan3A_10 = arith.constant 40 : i32
    %scan3A_11 = arith.addi %scan3A_9, %scan3A_10 : i32
    %scan3A_12 = arith.constant 1 : i32
    scf.for %scan3A_20 = %scan3A_9 to %scan3A_11 step %scan3A_12  : i32 {
      %mul3A_21 = arith.constant 2 : i32
      %mul3A_22 = arith.muli %mul3A_21, %scan3A_20 : i32
      %add3A_23 = arith.constant 1 : i32
      %add3A_24 = arith.addi %mul3A_22, %add3A_23 : i32
      %dma_start3A_25 = arith.constant 0 : i32
      %dma_start3A_26 = tpu.memref_slice %arg7[%add3A_24, %dma_start3A_25] : memref<80x128xi32, #tpu.memory_space<vmem>> -> memref<1x128xi32, #tpu.memory_space<vmem>>
      %dma_start3A_27 = tpu.memref_squeeze %dma_start3A_26 : memref<1x128xi32, #tpu.memory_space<vmem>> -> memref<128xi32, #tpu.memory_space<vmem>>
      %dma_start3A_28 = arith.constant 0 : i32
      %dma_start3A_29 = arith.constant 0 : i32
      %dma_start3A_30 = tpu.memref_slice %arg4[%dma_start3A_28, %dma_start3A_29] : memref<128x128xf32, #tpu.memory_space<hbm>> -> memref<128x128xf32, #tpu.memory_space<hbm>>
      tpu.enqueue_indirect_dma source(%dma_start3A_30 : memref<128x128xf32, #tpu.memory_space<hbm>>) target(%arg10 : memref<128x128xf32, #tpu.memory_space<vmem>>) offsets(%dma_start3A_27 : memref<128xi32, #tpu.memory_space<vmem>>) semaphore(%arg13 : memref<!tpu.dma_semaphore, #tpu.memory_space<semaphore_mem>>)
      %dma_wait3A = arith.constant 0 : i32
      %dma_wait3A_31 = tpu.memref_slice %arg7[%mul3A_22, %dma_wait3A] : memref<80x128xi32, #tpu.memory_space<vmem>> -> memref<1x128xi32, #tpu.memory_space<vmem>>
      %dma_wait3A_32 = tpu.memref_squeeze %dma_wait3A_31 : memref<1x128xi32, #tpu.memory_space<vmem>> -> memref<128xi32, #tpu.memory_space<vmem>>
      %dma_wait3A_33 = arith.constant 0 : i32
      %dma_wait3A_34 = arith.constant 0 : i32
      %dma_wait3A_35 = tpu.memref_slice %arg4[%dma_wait3A_33, %dma_wait3A_34] : memref<128x128xf32, #tpu.memory_space<hbm>> -> memref<128x128xf32, #tpu.memory_space<hbm>>
      tpu.wait_indirect_dma semaphore(%arg12 : memref<!tpu.dma_semaphore, #tpu.memory_space<semaphore_mem>>) src(%dma_wait3A_35 : memref<128x128xf32, #tpu.memory_space<hbm>>) dst(%arg9 : memref<128x128xf32, #tpu.memory_space<vmem>>)
      "tpu.region"() ({
        %run_scoped3A = tpu.sem_alloc : memref<!tpu.dma_semaphore, #tpu.memory_space<semaphore_mem>>
        %dma_start3A_47 = arith.constant 0 : i32
        %dma_start3A_48 = tpu.memref_slice %arg8[%mul3A_22, %dma_start3A_47] : memref<80x128xi32, #tpu.memory_space<vmem>> -> memref<1x128xi32, #tpu.memory_space<vmem>>
        %dma_start3A_49 = tpu.memref_squeeze %dma_start3A_48 : memref<1x128xi32, #tpu.memory_space<vmem>> -> memref<128xi32, #tpu.memory_space<vmem>>
        %dma_start3A_50 = arith.constant 0 : i32
        %dma_start3A_51 = arith.constant 0 : i32
        %dma_start3A_52 = tpu.memref_slice %arg11[%dma_start3A_50, %dma_start3A_51] : memref<80x128xf32, #tpu.memory_space<vmem_shared>> -> memref<80x128xf32, #tpu.memory_space<vmem_shared>>
        tpu.enqueue_indirect_dma source(%arg9 : memref<128x128xf32, #tpu.memory_space<vmem>>) target(%dma_start3A_52 : memref<80x128xf32, #tpu.memory_space<vmem_shared>>) offsets(%dma_start3A_49 : memref<128xi32, #tpu.memory_space<vmem>>) semaphore(%run_scoped3A : memref<!tpu.dma_semaphore, #tpu.memory_space<semaphore_mem>>) {add = true}
        %dma_wait3A_53 = arith.constant 0 : i32
        %dma_wait3A_54 = tpu.memref_slice %arg8[%mul3A_22, %dma_wait3A_53] : memref<80x128xi32, #tpu.memory_space<vmem>> -> memref<1x128xi32, #tpu.memory_space<vmem>>
        %dma_wait3A_55 = tpu.memref_squeeze %dma_wait3A_54 : memref<1x128xi32, #tpu.memory_space<vmem>> -> memref<128xi32, #tpu.memory_space<vmem>>
        %dma_wait3A_56 = arith.constant 0 : i32
        %dma_wait3A_57 = arith.constant 0 : i32
        %dma_wait3A_58 = tpu.memref_slice %arg11[%dma_wait3A_56, %dma_wait3A_57] : memref<80x128xf32, #tpu.memory_space<vmem_shared>> -> memref<80x128xf32, #tpu.memory_space<vmem_shared>>
        tpu.wait_indirect_dma semaphore(%run_scoped3A : memref<!tpu.dma_semaphore, #tpu.memory_space<semaphore_mem>>) src(%arg9 : memref<128x128xf32, #tpu.memory_space<vmem>>) dst(%dma_wait3A_58 : memref<80x128xf32, #tpu.memory_space<vmem_shared>>)
        tpu.yield
      }) : () -> ()
      %lt3A_36 = arith.constant 39 : i32
      %lt3A_37 = arith.cmpi slt, %scan3A_20, %lt3A_36 : i32
      %convert_element_type3A_38 = arith.extui %lt3A_37 : i1 to i32
      %cond3A_39 = arith.constant 0 : i32
      %cond3A_40 = arith.cmpi ne, %convert_element_type3A_38, %cond3A_39 : i32
      scf.if %cond3A_40 {
        %add3A_47 = arith.constant 2 : i32
        %add3A_48 = arith.addi %mul3A_22, %add3A_47 : i32
        %dma_start3A_49 = arith.constant 0 : i32
        %dma_start3A_50 = tpu.memref_slice %arg7[%add3A_48, %dma_start3A_49] : memref<80x128xi32, #tpu.memory_space<vmem>> -> memref<1x128xi32, #tpu.memory_space<vmem>>
        %dma_start3A_51 = tpu.memref_squeeze %dma_start3A_50 : memref<1x128xi32, #tpu.memory_space<vmem>> -> memref<128xi32, #tpu.memory_space<vmem>>
        %dma_start3A_52 = arith.constant 0 : i32
        %dma_start3A_53 = arith.constant 0 : i32
        %dma_start3A_54 = tpu.memref_slice %arg4[%dma_start3A_52, %dma_start3A_53] : memref<128x128xf32, #tpu.memory_space<hbm>> -> memref<128x128xf32, #tpu.memory_space<hbm>>
        tpu.enqueue_indirect_dma source(%dma_start3A_54 : memref<128x128xf32, #tpu.memory_space<hbm>>) target(%arg9 : memref<128x128xf32, #tpu.memory_space<vmem>>) offsets(%dma_start3A_51 : memref<128xi32, #tpu.memory_space<vmem>>) semaphore(%arg12 : memref<!tpu.dma_semaphore, #tpu.memory_space<semaphore_mem>>)
      } else {
      }
      %dma_wait3A_41 = arith.constant 0 : i32
      %dma_wait3A_42 = tpu.memref_slice %arg7[%add3A_24, %dma_wait3A_41] : memref<80x128xi32, #tpu.memory_space<vmem>> -> memref<1x128xi32, #tpu.memory_space<vmem>>
      %dma_wait3A_43 = tpu.memref_squeeze %dma_wait3A_42 : memref<1x128xi32, #tpu.memory_space<vmem>> -> memref<128xi32, #tpu.memory_space<vmem>>
      %dma_wait3A_44 = arith.constant 0 : i32
      %dma_wait3A_45 = arith.constant 0 : i32
      %dma_wait3A_46 = tpu.memref_slice %arg4[%dma_wait3A_44, %dma_wait3A_45] : memref<128x128xf32, #tpu.memory_space<hbm>> -> memref<128x128xf32, #tpu.memory_space<hbm>>
      tpu.wait_indirect_dma semaphore(%arg13 : memref<!tpu.dma_semaphore, #tpu.memory_space<semaphore_mem>>) src(%dma_wait3A_46 : memref<128x128xf32, #tpu.memory_space<hbm>>) dst(%arg10 : memref<128x128xf32, #tpu.memory_space<vmem>>)
      "tpu.region"() ({
        %run_scoped3A = tpu.sem_alloc : memref<!tpu.dma_semaphore, #tpu.memory_space<semaphore_mem>>
        %dma_start3A_47 = arith.constant 0 : i32
        %dma_start3A_48 = tpu.memref_slice %arg8[%add3A_24, %dma_start3A_47] : memref<80x128xi32, #tpu.memory_space<vmem>> -> memref<1x128xi32, #tpu.memory_space<vmem>>
        %dma_start3A_49 = tpu.memref_squeeze %dma_start3A_48 : memref<1x128xi32, #tpu.memory_space<vmem>> -> memref<128xi32, #tpu.memory_space<vmem>>
        %dma_start3A_50 = arith.constant 0 : i32
        %dma_start3A_51 = arith.constant 0 : i32
        %dma_start3A_52 = tpu.memref_slice %arg11[%dma_start3A_50, %dma_start3A_51] : memref<80x128xf32, #tpu.memory_space<vmem_shared>> -> memref<80x128xf32, #tpu.memory_space<vmem_shared>>
        tpu.enqueue_indirect_dma source(%arg10 : memref<128x128xf32, #tpu.memory_space<vmem>>) target(%dma_start3A_52 : memref<80x128xf32, #tpu.memory_space<vmem_shared>>) offsets(%dma_start3A_49 : memref<128xi32, #tpu.memory_space<vmem>>) semaphore(%run_scoped3A : memref<!tpu.dma_semaphore, #tpu.memory_space<semaphore_mem>>) {add = true}
        %dma_wait3A_53 = arith.constant 0 : i32
        %dma_wait3A_54 = tpu.memref_slice %arg8[%add3A_24, %dma_wait3A_53] : memref<80x128xi32, #tpu.memory_space<vmem>> -> memref<1x128xi32, #tpu.memory_space<vmem>>
        %dma_wait3A_55 = tpu.memref_squeeze %dma_wait3A_54 : memref<1x128xi32, #tpu.memory_space<vmem>> -> memref<128xi32, #tpu.memory_space<vmem>>
        %dma_wait3A_56 = arith.constant 0 : i32
        %dma_wait3A_57 = arith.constant 0 : i32
        %dma_wait3A_58 = tpu.memref_slice %arg11[%dma_wait3A_56, %dma_wait3A_57] : memref<80x128xf32, #tpu.memory_space<vmem_shared>> -> memref<80x128xf32, #tpu.memory_space<vmem_shared>>
        tpu.wait_indirect_dma semaphore(%run_scoped3A : memref<!tpu.dma_semaphore, #tpu.memory_space<semaphore_mem>>) src(%arg10 : memref<128x128xf32, #tpu.memory_space<vmem>>) dst(%dma_wait3A_58 : memref<80x128xf32, #tpu.memory_space<vmem_shared>>)
        tpu.yield
      }) : () -> ()
    }
    %scan3A_13 = arith.constant 40 : i32
    %barrier3A_14 = arith.constant 0 : index
    tpu.barrier barrier_id(%barrier3A_14)
    %lt3A_15 = arith.constant 10 : i32
    %lt3A_16 = arith.cmpi slt, %arg1, %lt3A_15 : i32
    %convert_element_type3A_17 = arith.extui %lt3A_16 : i1 to i32
    %cond3A_18 = arith.constant 0 : i32
    %cond3A_19 = arith.cmpi ne, %convert_element_type3A_17, %cond3A_18 : i32
    scf.if %cond3A_19 {
      %mul3A_20 = arith.constant 8 : i32
      %mul3A_21 = arith.muli %arg1, %mul3A_20 : i32
      %mul3A_22 = arith.constant 8 : i32
      %mul3A_23 = arith.muli %arg1, %mul3A_22 : i32
      "tpu.region"() ({
        %run_scoped3A = tpu.sem_alloc : memref<!tpu.dma_semaphore, #tpu.memory_space<semaphore_mem>>
        %dma_start3A_24 = arith.constant 0 : i32
        %dma_start3A_25 = tpu.memref_slice %arg6[%arg0, %mul3A_23, %dma_start3A_24] : memref<2x80x128xf32, #tpu.memory_space<hbm>> -> memref<1x8x128xf32, #tpu.memory_space<hbm>>
        %dma_start3A_26 = tpu.memref_squeeze %dma_start3A_25 : memref<1x8x128xf32, #tpu.memory_space<hbm>> -> memref<8x128xf32, #tpu.memory_space<hbm>>
        %dma_start3A_27 = arith.constant 0 : i32
        %dma_start3A_28 = tpu.memref_slice %arg11[%mul3A_21, %dma_start3A_27] : memref<80x128xf32, #tpu.memory_space<vmem_shared>> -> memref<8x128xf32, #tpu.memory_space<vmem_shared>>
        tpu.enqueue_dma source(%dma_start3A_28 : memref<8x128xf32, #tpu.memory_space<vmem_shared>>) target(%dma_start3A_26 : memref<8x128xf32, #tpu.memory_space<hbm>>) target_semaphore(%run_scoped3A : memref<!tpu.dma_semaphore, #tpu.memory_space<semaphore_mem>>)
        %dma_wait3A = arith.constant 0 : i32
        %dma_wait3A_29 = tpu.memref_slice %arg6[%arg0, %mul3A_23, %dma_wait3A] : memref<2x80x128xf32, #tpu.memory_space<hbm>> -> memref<1x8x128xf32, #tpu.memory_space<hbm>>
        %dma_wait3A_30 = tpu.memref_squeeze %dma_wait3A_29 : memref<1x8x128xf32, #tpu.memory_space<hbm>> -> memref<8x128xf32, #tpu.memory_space<hbm>>
        %dma_wait3A_31 = arith.constant 0 : i32
        %dma_wait3A_32 = tpu.memref_slice %arg11[%mul3A_21, %dma_wait3A_31] : memref<80x128xf32, #tpu.memory_space<vmem_shared>> -> memref<8x128xf32, #tpu.memory_space<vmem_shared>>
        tpu.wait_dma2 semaphore(%run_scoped3A : memref<!tpu.dma_semaphore, #tpu.memory_space<semaphore_mem>>) src(%dma_wait3A_32 : memref<8x128xf32, #tpu.memory_space<vmem_shared>>) dst(%dma_wait3A_30 : memref<8x128xf32, #tpu.memory_space<hbm>>)
        tpu.yield
      }) : () -> ()
    } else {
    }
    return
  }
}

module attributes {stable_mosaic.version = 14 : i64} {
  func.func @_prep_body(%arg0: i32, %arg1: memref<50x128xf32, #tpu.memory_space<vmem>>, %arg2: memref<50x64xf32, #tpu.memory_space<vmem>>, %arg3: memref<192x128xf32, #tpu.memory_space<vmem>>, %arg4: memref<1x128xf32, #tpu.memory_space<vmem>>, %arg5: memref<448x128xf32, #tpu.memory_space<vmem>>, %arg6: memref<1x2048xi32, #tpu.memory_space<vmem>>, %arg7: memref<1x10240xi32, #tpu.memory_space<vmem>>, %arg8: memref<2048x1xf32, #tpu.memory_space<vmem>>, %arg9: memref<2048x1xf32, #tpu.memory_space<vmem>>, %arg10: memref<2048x128xf32, #tpu.memory_space<vmem>>) attributes {dimension_semantics = [#tpu.dimension_semantics<arbitrary>], iteration_bounds = array<i64: 5>, scalar_prefetch = 0 : i64, scratch_operands = 0 : i64, tpu.core_type = #tpu.core_type<tc>, window_params = [{pipeline_mode = #tpu.pipeline_mode<synchronous>, transform_indices = @transform_0, window_bounds = array<i64: 50, 128>}, {pipeline_mode = #tpu.pipeline_mode<synchronous>, transform_indices = @transform_1, window_bounds = array<i64: 50, 64>}, {pipeline_mode = #tpu.pipeline_mode<synchronous>, transform_indices = @transform_2, window_bounds = array<i64: 192, 128>}, {pipeline_mode = #tpu.pipeline_mode<synchronous>, transform_indices = @transform_3, window_bounds = array<i64: 1, 128>}, {pipeline_mode = #tpu.pipeline_mode<synchronous>, transform_indices = @transform_4, window_bounds = array<i64: 448, 128>}, {transform_indices = @transform_5, window_bounds = array<i64: 1, 2048>}, {pipeline_mode = #tpu.pipeline_mode<synchronous>, transform_indices = @transform_6, window_bounds = array<i64: 1, 10240>}, {transform_indices = @transform_7, window_bounds = array<i64: 2048, 1>}, {transform_indices = @transform_8, window_bounds = array<i64: 2048, 1>}, {transform_indices = @transform_9, window_bounds = array<i64: 2048, 128>}]} {
    %get3A = arith.constant 0 : index
    %get3A_0 = arith.constant 0 : index
    %get3A_1 = vector.load %arg1[%get3A, %get3A_0] : memref<50x128xf32, #tpu.memory_space<vmem>>, vector<50x128xf32>
    %get3A_2 = arith.constant 0 : index
    %get3A_3 = arith.constant 0 : index
    %get3A_4 = vector.load %arg3[%get3A_2, %get3A_3] : memref<192x128xf32, #tpu.memory_space<vmem>>, vector<128x128xf32>
    %convert_element_type3A = arith.truncf %get3A_1 : vector<50x128xf32> to vector<50x128xbf16>
    %convert_element_type3A_5 = arith.truncf %get3A_4 : vector<128x128xf32> to vector<128x128xbf16>
    %dot_general3A = arith.constant dense<0.000000e+00> : vector<50x128xf32>
    %dot_general3A_6 = tpu.matmul %convert_element_type3A, %convert_element_type3A_5, %dot_general3A {dimension_numbers = #tpu.dot_dimension_numbers<[1], [0], [0], [1], [0, 0, 1, 1], [], []>, transpose_lhs_hint = false} : vector<50x128xbf16>, vector<128x128xbf16>, vector<50x128xf32> -> vector<50x128xf32>
    %get3A_7 = arith.constant 0 : index
    %get3A_8 = arith.constant 0 : index
    %get3A_9 = vector.load %arg2[%get3A_7, %get3A_8] : memref<50x64xf32, #tpu.memory_space<vmem>>, vector<50x64xf32>
    %get3A_10 = arith.constant 128 : index
    %get3A_11 = arith.constant 0 : index
    %get3A_12 = vector.load %arg3[%get3A_10, %get3A_11] : memref<192x128xf32, #tpu.memory_space<vmem>>, vector<64x128xf32>
    %convert_element_type3A_13 = arith.truncf %get3A_9 : vector<50x64xf32> to vector<50x64xbf16>
    %convert_element_type3A_14 = arith.truncf %get3A_12 : vector<64x128xf32> to vector<64x128xbf16>
    %dot_general3A_15 = arith.constant dense<0.000000e+00> : vector<50x128xf32>
    %dot_general3A_16 = tpu.matmul %convert_element_type3A_13, %convert_element_type3A_14, %dot_general3A_15 {dimension_numbers = #tpu.dot_dimension_numbers<[1], [0], [0], [1], [0, 0, 1, 1], [], []>, transpose_lhs_hint = false} : vector<50x64xbf16>, vector<64x128xbf16>, vector<50x128xf32> -> vector<50x128xf32>
    %add3A = arith.addf %dot_general3A_6, %dot_general3A_16 : vector<50x128xf32>
    %get3A_17 = arith.constant 0 : index
    %get3A_18 = arith.constant 0 : index
    %get3A_19 = vector.load %arg4[%get3A_17, %get3A_18] : memref<1x128xf32, #tpu.memory_space<vmem>>, vector<1x128xf32>
    %add3A_20 = vector.broadcast %get3A_19 : vector<1x128xf32> to vector<50x128xf32>
    %add3A_21 = arith.addf %add3A, %add3A_20 : vector<50x128xf32>
    %max3A = arith.constant 0.000000e+00 : f32
    %max3A_22 = vector.broadcast %max3A : f32 to vector<50x128xf32>
    %max3A_23 = arith.maximumf %add3A_21, %max3A_22 : vector<50x128xf32>
    %get3A_24 = arith.constant 0 : index
    %get3A_25 = arith.constant 0 : index
    %get3A_26 = vector.load %arg5[%get3A_24, %get3A_25] : memref<448x128xf32, #tpu.memory_space<vmem>>, vector<128x128xf32>
    %convert_element_type3A_27 = arith.truncf %max3A_23 : vector<50x128xf32> to vector<50x128xbf16>
    %convert_element_type3A_28 = arith.truncf %get3A_26 : vector<128x128xf32> to vector<128x128xbf16>
    %dot_general3A_29 = arith.constant dense<0.000000e+00> : vector<50x128xf32>
    %dot_general3A_30 = tpu.matmul %convert_element_type3A_27, %convert_element_type3A_28, %dot_general3A_29 {dimension_numbers = #tpu.dot_dimension_numbers<[1], [0], [0], [1], [0, 0, 1, 1], [], []>, transpose_lhs_hint = false} : vector<50x128xbf16>, vector<128x128xbf16>, vector<50x128xf32> -> vector<50x128xf32>
    %get3A_31 = arith.constant 0 : index
    %get3A_32 = arith.constant 0 : index
    %get3A_33 = vector.load %arg7[%get3A_31, %get3A_32] : memref<1x10240xi32, #tpu.memory_space<vmem>>, vector<1x10240xi32>
    %convert_element_type3A_34 = arith.sitofp %get3A_33 : vector<1x10240xi32> to vector<1x10240xf32>
    %iota3A = tpu.iota {dimensions = array<i32: 0>} : vector<50x1xi32>
    %convert_element_type3A_35 = arith.sitofp %iota3A : vector<50x1xi32> to vector<50x1xf32>
    %lt3A = vector.broadcast %convert_element_type3A_34 : vector<1x10240xf32> to vector<50x10240xf32>
    %lt3A_36 = vector.broadcast %convert_element_type3A_35 : vector<50x1xf32> to vector<50x10240xf32>
    %lt3A_37 = arith.cmpf olt, %lt3A, %lt3A_36 : vector<50x10240xf32>
    %convert_element_type3A_38 = arith.extui %lt3A_37 : vector<50x10240xi1> to vector<50x10240xi32>
    %convert_element_type3A_39 = arith.sitofp %convert_element_type3A_38 : vector<50x10240xi32> to vector<50x10240xf32>
    %reduce_sum3A = arith.constant dense<0.000000e+00> : vector<50xf32>
    %reduce_sum3A_40 = vector.multi_reduction <add>, %convert_element_type3A_39, %reduce_sum3A [1] : vector<50x10240xf32> to vector<50xf32>
    %broadcast_in_dim3A = vector.shape_cast %reduce_sum3A_40 : vector<50xf32> to vector<50x1xf32>
    %get3A_41 = arith.constant 0 : index
    %get3A_42 = arith.constant 0 : index
    %get3A_43 = vector.load %arg6[%get3A_41, %get3A_42] : memref<1x2048xi32, #tpu.memory_space<vmem>>, vector<1x2048xi32>
    %reshape3A = vector.shape_cast %get3A_43 : vector<1x2048xi32> to vector<2048x1xi32>
    %convert_element_type3A_44 = arith.sitofp %reshape3A : vector<2048x1xi32> to vector<2048x1xf32>
    %iota3A_45 = tpu.iota {dimensions = array<i32: 1>} : vector<1x50xi32>
    %convert_element_type3A_46 = arith.sitofp %iota3A_45 : vector<1x50xi32> to vector<1x50xf32>
    %eq3A = vector.broadcast %convert_element_type3A_44 : vector<2048x1xf32> to vector<2048x50xf32>
    %eq3A_47 = vector.broadcast %convert_element_type3A_46 : vector<1x50xf32> to vector<2048x50xf32>
    %eq3A_48 = arith.cmpf oeq, %eq3A, %eq3A_47 : vector<2048x50xf32>
    %convert_element_type3A_49 = arith.extui %eq3A_48 : vector<2048x50xi1> to vector<2048x50xi32>
    %convert_element_type3A_50 = arith.sitofp %convert_element_type3A_49 : vector<2048x50xi32> to vector<2048x50xf32>
    %dot_general3A_51 = arith.constant dense<0.000000e+00> : vector<2048x1xf32>
    %dot_general3A_52 = tpu.matmul %convert_element_type3A_50, %broadcast_in_dim3A, %dot_general3A_51 {dimension_numbers = #tpu.dot_dimension_numbers<[1], [0], [0], [1], [0, 0, 1, 1], [], []>, precision = #tpu.contract_precision<fp32>, transpose_lhs_hint = false} : vector<2048x50xf32>, vector<50x1xf32>, vector<2048x1xf32> -> vector<2048x1xf32>
    %mul3A = arith.constant 2048 : i32
    %mul3A_53 = arith.muli %arg0, %mul3A : i32
    %iota3A_54 = tpu.iota {dimensions = array<i32: 0>} : vector<2048x1xi32>
    %add3A_55 = vector.broadcast %mul3A_53 : i32 to vector<2048x1xi32>
    %add3A_56 = arith.addi %add3A_55, %iota3A_54 : vector<2048x1xi32>
    %convert_element_type3A_57 = arith.sitofp %add3A_56 : vector<2048x1xi32> to vector<2048x1xf32>
    %sub3A = arith.subf %convert_element_type3A_57, %dot_general3A_52 : vector<2048x1xf32>
    %iota3A_58 = tpu.iota {dimensions = array<i32: 1>} : vector<2048x320xi32>
    %convert_element_type3A_59 = arith.sitofp %iota3A_58 : vector<2048x320xi32> to vector<2048x320xf32>
    %eq3A_60 = vector.broadcast %sub3A : vector<2048x1xf32> to vector<2048x320xf32>
    %eq3A_61 = arith.cmpf oeq, %eq3A_60, %convert_element_type3A_59 : vector<2048x320xf32>
    %convert_element_type3A_62 = arith.extui %eq3A_61 : vector<2048x320xi1> to vector<2048x320xi32>
    %convert_element_type3A_63 = arith.sitofp %convert_element_type3A_62 : vector<2048x320xi32> to vector<2048x320xf32>
    %dot_general3A_64 = arith.constant dense<0.000000e+00> : vector<2048x128xf32>
    %dot_general3A_65 = tpu.matmul %convert_element_type3A_50, %dot_general3A_30, %dot_general3A_64 {dimension_numbers = #tpu.dot_dimension_numbers<[1], [0], [0], [1], [0, 0, 1, 1], [], []>, precision = #tpu.contract_precision<fp32>, transpose_lhs_hint = false} : vector<2048x50xf32>, vector<50x128xf32>, vector<2048x128xf32> -> vector<2048x128xf32>
    %get3A_66 = arith.constant 128 : index
    %get3A_67 = arith.constant 0 : index
    %get3A_68 = vector.load %arg5[%get3A_66, %get3A_67] : memref<448x128xf32, #tpu.memory_space<vmem>>, vector<320x128xf32>
    %convert_element_type3A_69 = arith.truncf %convert_element_type3A_63 : vector<2048x320xf32> to vector<2048x320xbf16>
    %convert_element_type3A_70 = arith.truncf %get3A_68 : vector<320x128xf32> to vector<320x128xbf16>
    %dot_general3A_71 = arith.constant dense<0.000000e+00> : vector<2048x128xf32>
    %dot_general3A_72 = tpu.matmul %convert_element_type3A_69, %convert_element_type3A_70, %dot_general3A_71 {dimension_numbers = #tpu.dot_dimension_numbers<[1], [0], [0], [1], [0, 0, 1, 1], [], []>, transpose_lhs_hint = false} : vector<2048x320xbf16>, vector<320x128xbf16>, vector<2048x128xf32> -> vector<2048x128xf32>
    %add3A_73 = arith.addf %dot_general3A_65, %dot_general3A_72 : vector<2048x128xf32>
    %get3A_74 = arith.constant 0 : index
    %get3A_75 = arith.constant 0 : index
    %get3A_76 = vector.load %arg8[%get3A_74, %get3A_75] : memref<2048x1xf32, #tpu.memory_space<vmem>>, vector<2048x1xf32>
    %get3A_77 = arith.constant 0 : index
    %get3A_78 = arith.constant 0 : index
    %get3A_79 = vector.load %arg9[%get3A_77, %get3A_78] : memref<2048x1xf32, #tpu.memory_space<vmem>>, vector<2048x1xf32>
    %add3A_80 = arith.addf %get3A_76, %get3A_79 : vector<2048x1xf32>
    %add3A_81 = arith.constant 1.000000e+00 : f32
    %add3A_82 = vector.broadcast %add3A_81 : f32 to vector<2048x1xf32>
    %add3A_83 = arith.addf %add3A_80, %add3A_82 : vector<2048x1xf32>
    %sqrt3A = math.sqrt %add3A_83 : vector<2048x1xf32>
    %div3A = arith.constant 1.000000e+00 : f32
    %div3A_84 = vector.broadcast %div3A : f32 to vector<2048x1xf32>
    %div3A_85 = arith.divf %div3A_84, %sqrt3A : vector<2048x1xf32>
    %mul3A_86 = vector.broadcast %div3A_85 : vector<2048x1xf32> to vector<2048x128xf32>
    %mul3A_87 = arith.mulf %add3A_73, %mul3A_86 : vector<2048x128xf32>
    %swap3A = arith.constant 0 : index
    %swap3A_88 = arith.constant 0 : index
    %swap3A_89 = vector.load %arg10[%swap3A, %swap3A_88] : memref<2048x128xf32, #tpu.memory_space<vmem>>, vector<2048x128xf32>
    tpu.vector_store %arg10[%swap3A, %swap3A_88], %mul3A_87 {strides = array<i32>} : memref<2048x128xf32, #tpu.memory_space<vmem>>, vector<2048x128xf32>,
    return
  }
  func.func @transform_0(%arg0: i32) -> (i32, i32) {
    %c0_i32 = arith.constant 0 : i32
    %c0_i32_0 = arith.constant 0 : i32
    %c0_i32_1 = arith.constant 0 : i32
    return %c0_i32, %c0_i32_0 : i32, i32
  }
  func.func @transform_1(%arg0: i32) -> (i32, i32) {
    %c0_i32 = arith.constant 0 : i32
    %c0_i32_0 = arith.constant 0 : i32
    %c0_i32_1 = arith.constant 0 : i32
    return %c0_i32, %c0_i32_0 : i32, i32
  }
  func.func @transform_2(%arg0: i32) -> (i32, i32) {
    %c0_i32 = arith.constant 0 : i32
    %c0_i32_0 = arith.constant 0 : i32
    %c0_i32_1 = arith.constant 0 : i32
    return %c0_i32, %c0_i32_0 : i32, i32
  }
  func.func @transform_3(%arg0: i32) -> (i32, i32) {
    %c0_i32 = arith.constant 0 : i32
    %c0_i32_0 = arith.constant 0 : i32
    %c0_i32_1 = arith.constant 0 : i32
    return %c0_i32, %c0_i32_0 : i32, i32
  }
  func.func @transform_4(%arg0: i32) -> (i32, i32) {
    %c0_i32 = arith.constant 0 : i32
    %c0_i32_0 = arith.constant 0 : i32
    %c0_i32_1 = arith.constant 0 : i32
    return %c0_i32, %c0_i32_0 : i32, i32
  }
  func.func @transform_5(%arg0: i32) -> (i32, i32) {
    %c0_i32 = arith.constant 0 : i32
    %c0_i32_0 = arith.constant 0 : i32
    return %c0_i32, %arg0 : i32, i32
  }
  func.func @transform_6(%arg0: i32) -> (i32, i32) {
    %c0_i32 = arith.constant 0 : i32
    %c0_i32_0 = arith.constant 0 : i32
    %c0_i32_1 = arith.constant 0 : i32
    return %c0_i32, %c0_i32_0 : i32, i32
  }
  func.func @transform_7(%arg0: i32) -> (i32, i32) {
    %c0_i32 = arith.constant 0 : i32
    %c0_i32_0 = arith.constant 0 : i32
    return %arg0, %c0_i32 : i32, i32
  }
  func.func @transform_8(%arg0: i32) -> (i32, i32) {
    %c0_i32 = arith.constant 0 : i32
    %c0_i32_0 = arith.constant 0 : i32
    return %arg0, %c0_i32 : i32, i32
  }
  func.func @transform_9(%arg0: i32) -> (i32, i32) {
    %c0_i32 = arith.constant 0 : i32
    %c0_i32_0 = arith.constant 0 : i32
    return %arg0, %c0_i32 : i32, i32
  }
}

module attributes {stable_mosaic.version = 14 : i64} {
  func.func @_head_body(%arg0: i32, %arg1: memref<2048x128xf32, #tpu.memory_space<vmem>>, %arg2: memref<2048x128xf32, #tpu.memory_space<vmem>>, %arg3: memref<2048x128xf32, #tpu.memory_space<vmem>>, %arg4: memref<2048x1xf32, #tpu.memory_space<vmem>>, %arg5: memref<2048x1xf32, #tpu.memory_space<vmem>>, %arg6: memref<1x128xf32, #tpu.memory_space<vmem>>, %arg7: memref<128x384xf32, #tpu.memory_space<vmem>>, %arg8: memref<1x384xf32, #tpu.memory_space<vmem>>, %arg9: memref<384x8xf32, #tpu.memory_space<vmem>>, %arg10: memref<1x8xf32, #tpu.memory_space<vmem>>, %arg11: memref<2048x8xf32, #tpu.memory_space<vmem>>) attributes {dimension_semantics = [#tpu.dimension_semantics<arbitrary>], iteration_bounds = array<i64: 5>, scalar_prefetch = 0 : i64, scratch_operands = 0 : i64, tpu.core_type = #tpu.core_type<tc>, window_params = [{transform_indices = @transform_0, window_bounds = array<i64: 2048, 128>}, {transform_indices = @transform_1, window_bounds = array<i64: 2048, 128>}, {transform_indices = @transform_2, window_bounds = array<i64: 2048, 128>}, {transform_indices = @transform_3, window_bounds = array<i64: 2048, 1>}, {transform_indices = @transform_4, window_bounds = array<i64: 2048, 1>}, {pipeline_mode = #tpu.pipeline_mode<synchronous>, transform_indices = @transform_5, window_bounds = array<i64: 1, 128>}, {pipeline_mode = #tpu.pipeline_mode<synchronous>, transform_indices = @transform_6, window_bounds = array<i64: 128, 384>}, {pipeline_mode = #tpu.pipeline_mode<synchronous>, transform_indices = @transform_7, window_bounds = array<i64: 1, 384>}, {pipeline_mode = #tpu.pipeline_mode<synchronous>, transform_indices = @transform_8, window_bounds = array<i64: 384, 8>}, {pipeline_mode = #tpu.pipeline_mode<synchronous>, transform_indices = @transform_9, window_bounds = array<i64: 1, 8>}, {transform_indices = @transform_10, window_bounds = array<i64: 2048, 8>}]} {
    %get3A = arith.constant 0 : index
    %get3A_0 = arith.constant 0 : index
    %get3A_1 = vector.load %arg4[%get3A, %get3A_0] : memref<2048x1xf32, #tpu.memory_space<vmem>>, vector<2048x1xf32>
    %get3A_2 = arith.constant 0 : index
    %get3A_3 = arith.constant 0 : index
    %get3A_4 = vector.load %arg5[%get3A_2, %get3A_3] : memref<2048x1xf32, #tpu.memory_space<vmem>>, vector<2048x1xf32>
    %add3A = arith.addf %get3A_1, %get3A_4 : vector<2048x1xf32>
    %add3A_5 = arith.constant 1.000000e+00 : f32
    %add3A_6 = vector.broadcast %add3A_5 : f32 to vector<2048x1xf32>
    %add3A_7 = arith.addf %add3A, %add3A_6 : vector<2048x1xf32>
    %sqrt3A = math.sqrt %add3A_7 : vector<2048x1xf32>
    %div3A = arith.constant 1.000000e+00 : f32
    %div3A_8 = vector.broadcast %div3A : f32 to vector<2048x1xf32>
    %div3A_9 = arith.divf %div3A_8, %sqrt3A : vector<2048x1xf32>
    %get3A_10 = arith.constant 0 : index
    %get3A_11 = arith.constant 0 : index
    %get3A_12 = vector.load %arg1[%get3A_10, %get3A_11] : memref<2048x128xf32, #tpu.memory_space<vmem>>, vector<2048x128xf32>
    %get3A_13 = arith.constant 0 : index
    %get3A_14 = arith.constant 0 : index
    %get3A_15 = vector.load %arg2[%get3A_13, %get3A_14] : memref<2048x128xf32, #tpu.memory_space<vmem>>, vector<2048x128xf32>
    %add3A_16 = arith.addf %get3A_12, %get3A_15 : vector<2048x128xf32>
    %get3A_17 = arith.constant 0 : index
    %get3A_18 = arith.constant 0 : index
    %get3A_19 = vector.load %arg3[%get3A_17, %get3A_18] : memref<2048x128xf32, #tpu.memory_space<vmem>>, vector<2048x128xf32>
    %add3A_20 = arith.addf %add3A_16, %get3A_19 : vector<2048x128xf32>
    %mul3A = vector.broadcast %div3A_9 : vector<2048x1xf32> to vector<2048x128xf32>
    %mul3A_21 = arith.mulf %add3A_20, %mul3A : vector<2048x128xf32>
    %get3A_22 = arith.constant 0 : index
    %get3A_23 = arith.constant 0 : index
    %get3A_24 = vector.load %arg6[%get3A_22, %get3A_23] : memref<1x128xf32, #tpu.memory_space<vmem>>, vector<1x128xf32>
    %add3A_25 = vector.broadcast %get3A_24 : vector<1x128xf32> to vector<2048x128xf32>
    %add3A_26 = arith.addf %mul3A_21, %add3A_25 : vector<2048x128xf32>
    %max3A = arith.constant 0.000000e+00 : f32
    %max3A_27 = vector.broadcast %max3A : f32 to vector<2048x128xf32>
    %max3A_28 = arith.maximumf %add3A_26, %max3A_27 : vector<2048x128xf32>
    %get3A_29 = arith.constant 0 : index
    %get3A_30 = arith.constant 0 : index
    %get3A_31 = vector.load %arg7[%get3A_29, %get3A_30] : memref<128x384xf32, #tpu.memory_space<vmem>>, vector<128x384xf32>
    %convert_element_type3A = arith.truncf %max3A_28 : vector<2048x128xf32> to vector<2048x128xbf16>
    %convert_element_type3A_32 = arith.truncf %get3A_31 : vector<128x384xf32> to vector<128x384xbf16>
    %dot_general3A = arith.constant dense<0.000000e+00> : vector<2048x384xf32>
    %dot_general3A_33 = tpu.matmul %convert_element_type3A, %convert_element_type3A_32, %dot_general3A {dimension_numbers = #tpu.dot_dimension_numbers<[1], [0], [0], [1], [0, 0, 1, 1], [], []>, transpose_lhs_hint = false} : vector<2048x128xbf16>, vector<128x384xbf16>, vector<2048x384xf32> -> vector<2048x384xf32>
    %get3A_34 = arith.constant 0 : index
    %get3A_35 = arith.constant 0 : index
    %get3A_36 = vector.load %arg8[%get3A_34, %get3A_35] : memref<1x384xf32, #tpu.memory_space<vmem>>, vector<1x384xf32>
    %add3A_37 = vector.broadcast %get3A_36 : vector<1x384xf32> to vector<2048x384xf32>
    %add3A_38 = arith.addf %dot_general3A_33, %add3A_37 : vector<2048x384xf32>
    %max3A_39 = arith.constant 0.000000e+00 : f32
    %max3A_40 = vector.broadcast %max3A_39 : f32 to vector<2048x384xf32>
    %max3A_41 = arith.maximumf %add3A_38, %max3A_40 : vector<2048x384xf32>
    %get3A_42 = arith.constant 0 : index
    %get3A_43 = arith.constant 0 : index
    %get3A_44 = vector.load %arg9[%get3A_42, %get3A_43] : memref<384x8xf32, #tpu.memory_space<vmem>>, vector<384x8xf32>
    %convert_element_type3A_45 = arith.truncf %max3A_41 : vector<2048x384xf32> to vector<2048x384xbf16>
    %convert_element_type3A_46 = arith.truncf %get3A_44 : vector<384x8xf32> to vector<384x8xbf16>
    %dot_general3A_47 = arith.constant dense<0.000000e+00> : vector<2048x8xf32>
    %dot_general3A_48 = tpu.matmul %convert_element_type3A_45, %convert_element_type3A_46, %dot_general3A_47 {dimension_numbers = #tpu.dot_dimension_numbers<[1], [0], [0], [1], [0, 0, 1, 1], [], []>, transpose_lhs_hint = false} : vector<2048x384xbf16>, vector<384x8xbf16>, vector<2048x8xf32> -> vector<2048x8xf32>
    %get3A_49 = arith.constant 0 : index
    %get3A_50 = arith.constant 0 : index
    %get3A_51 = vector.load %arg10[%get3A_49, %get3A_50] : memref<1x8xf32, #tpu.memory_space<vmem>>, vector<1x8xf32>
    %add3A_52 = vector.broadcast %get3A_51 : vector<1x8xf32> to vector<2048x8xf32>
    %add3A_53 = arith.addf %dot_general3A_48, %add3A_52 : vector<2048x8xf32>
    %swap3A = arith.constant 0 : index
    %swap3A_54 = arith.constant 0 : index
    %swap3A_55 = vector.load %arg11[%swap3A, %swap3A_54] : memref<2048x8xf32, #tpu.memory_space<vmem>>, vector<2048x8xf32>
    tpu.vector_store %arg11[%swap3A, %swap3A_54], %add3A_53 {strides = array<i32>} : memref<2048x8xf32, #tpu.memory_space<vmem>>, vector<2048x8xf32>,
    return
  }
  func.func @transform_0(%arg0: i32) -> (i32, i32) {
    %c0_i32 = arith.constant 0 : i32
    %c0_i32_0 = arith.constant 0 : i32
    return %arg0, %c0_i32 : i32, i32
  }
  func.func @transform_1(%arg0: i32) -> (i32, i32) {
    %c0_i32 = arith.constant 0 : i32
    %c0_i32_0 = arith.constant 0 : i32
    return %arg0, %c0_i32 : i32, i32
  }
  func.func @transform_2(%arg0: i32) -> (i32, i32) {
    %c0_i32 = arith.constant 0 : i32
    %c0_i32_0 = arith.constant 0 : i32
    return %arg0, %c0_i32 : i32, i32
  }
  func.func @transform_3(%arg0: i32) -> (i32, i32) {
    %c0_i32 = arith.constant 0 : i32
    %c0_i32_0 = arith.constant 0 : i32
    return %arg0, %c0_i32 : i32, i32
  }
  func.func @transform_4(%arg0: i32) -> (i32, i32) {
    %c0_i32 = arith.constant 0 : i32
    %c0_i32_0 = arith.constant 0 : i32
    return %arg0, %c0_i32 : i32, i32
  }
  func.func @transform_5(%arg0: i32) -> (i32, i32) {
    %c0_i32 = arith.constant 0 : i32
    %c0_i32_0 = arith.constant 0 : i32
    %c0_i32_1 = arith.constant 0 : i32
    return %c0_i32, %c0_i32_0 : i32, i32
  }
  func.func @transform_6(%arg0: i32) -> (i32, i32) {
    %c0_i32 = arith.constant 0 : i32
    %c0_i32_0 = arith.constant 0 : i32
    %c0_i32_1 = arith.constant 0 : i32
    return %c0_i32, %c0_i32_0 : i32, i32
  }
  func.func @transform_7(%arg0: i32) -> (i32, i32) {
    %c0_i32 = arith.constant 0 : i32
    %c0_i32_0 = arith.constant 0 : i32
    %c0_i32_1 = arith.constant 0 : i32
    return %c0_i32, %c0_i32_0 : i32, i32
  }
  func.func @transform_8(%arg0: i32) -> (i32, i32) {
    %c0_i32 = arith.constant 0 : i32
    %c0_i32_0 = arith.constant 0 : i32
    %c0_i32_1 = arith.constant 0 : i32
    return %c0_i32, %c0_i32_0 : i32, i32
  }
  func.func @transform_9(%arg0: i32) -> (i32, i32) {
    %c0_i32 = arith.constant 0 : i32
    %c0_i32_0 = arith.constant 0 : i32
    %c0_i32_1 = arith.constant 0 : i32
    return %c0_i32, %c0_i32_0 : i32, i32
  }
  func.func @transform_10(%arg0: i32) -> (i32, i32) {
    %c0_i32 = arith.constant 0 : i32
    %c0_i32_0 = arith.constant 0 : i32
    return %arg0, %c0_i32 : i32, i32
  }
}

</mosaic_0001>

<sc_bundles>
// kernel: kernel.6.cloned.1.call-start
scs
__scs_entry_jumppad:
0x0: {  	(pc) =	sbr.rel $0x88, $3  }
0x1: {  	(tag) =	ssettag $0x0;
	lr =	simm.s32 $0x1  }
0x2: {  	[smem:$0x3F8D] =	sst lr;
	_ =	strace $0xD0000000  }
0x3: {  	_ = 	snop  }
0x4: {  	_ = 	snop  }
0x5: {  	_ = 	snop  }
0x6: {  	_ = 	snop  }
0x7: {  	_ = 	snop  }
__scs_overlays_trampoline_lowered:
0x8: {  	[smem:$0x3F9C] =	sst s0  }
0x9: {  	[smem:$0x3F9D] =	sst s1  }
0xa: {  	[smem:$0x3F9E] =	sst s2  }
0xb: {  	[smem:$0x3F9F] =	sst s3  }
0xc: {  	[smem:$0x3FA0] =	sst s4  }
0xd: {  	[smem:$0x3FA1] =	sst s5  }
0xe: {  	[smem:$0x3FA2] =	sst s6  }
0xf: {  	[smem:$0x3FA3] =	sst s7  }
0x10: {  	[smem:$0x3FA4] =	sst s8  }
0x11: {  	[smem:$0x3FA5] =	sst s9;
	s0 =	simm.s32 @!p0 $0x0  }
0x12: {  	s1 =	sld [smem:$0x3F8B];
	s0 =	simm.s32 @p0 $0x1  }
0x13: {  	[smem:$0x3FA6] =	sst s0;
	s0 =	simm.s32 @!p1 $0x0  }
0x14: {  	s2 =	sld [smem:$0x3F8A];
	s0 =	simm.s32 @p1 $0x1  }
0x15: {  	[smem:$0x3FA7] =	sst s0;
	s0 =	simm.s32 @!p2 $0x0  }
0x16: {  	s3 =	sld [smem:$0x3FDB];
	s0 =	simm.s32 @p2 $0x1  }
0x17: {  	s4 =	simm.s32 $0x1BF5;
	[smem:$0x3FA9] =	sst s0  }
0x18: {  	s0 =	sld [smem:$0x3F8C];
	_ =	swait.ge [sflag:s4], $0x0  }
0x19: {  	s7 =	sld [smem:$0x3F8D]  }
0x1a: {  	s8 =	sadd.s32 $0xFFFFE003, lr  }
0x1b: {  	s9 =	sadd.s32 $0xFFFFFEF7, lr;
	s5 =	simm.s32 $0xFFFFFFFF;
	p2 =	slt.u32 s8, $0xFFFFF086  }
0x1c: {  	p1 =	slt.u32 s9, $0xF7A;
	s5 =	simm.s32 @!p2 $0x0  }
0x1d: {  	s5 =	simm.s32 @p1 $0x1;
	p0 =	seq.s32 s7, s2  }
0x1e: {  	s7 =	smul.u32 @!p0 $0xF7A, s2;
	p2 =	seq.s32 @!p0 s5, $0x0  }
0x1f: {  	s9 =	smul.u32 $0xF7A, s1;
	s8 =	simm.s32 @!p0 $0x1BF5;
	p2 =	por !p2, p0  }
0x20: {  	[sflag:s8] =	ssyncset.s32 @!p0 $0xFFFFF086;
	s6 =	sadd.s32 @!p0 s3, s7;
	s7 =	simm.s32 @!p0 $0x108  }
0x21: {  	s3 =	sadd.s32 s3, s9;
	s6 =	sadd.s32 @!p0 $0x88, s6;
	s7 =	simm.s32 @p2 $0x1082  }
0x22: {  	[simem:s7], [sflag:s8] =	dma.local @!p0 [hbm:s6], $0xF7A  }
0x23: {  	s9 =	sor.u32 $0xD0000000, s2;
	s6 =	simm.s32 $0x108;
	_ =	swait.ge @!p0 [sflag:s8], $0x0  }
0x24: {  	s3 =	sadd.s32 $0x88, s3;
	s6 =	simm.s32 @!p1 $0x1082;
	[sflag:s4] =	ssyncset.s32 $0xFFFFF086  }
0x25: {  	[simem:s6], [sflag:s4] =	dma.local [hbm:s3], $0xF7A  }
0x26: {  	[smem:$0x3F8D] =	sst s1;
	(tag) =	ssettag s2;
	_ =	strace s9  }
0x27: {  	s1 =	sld [smem:$0x3F9D]  }
0x28: {  	s2 =	sld [smem:$0x3F9E]  }
0x29: {  	s4 =	sld [smem:$0x3FA0]  }
0x2a: {  	p0 =	seq.s32 s5, $0x0;
	s5 =	sld [smem:$0x3FA1]  }
0x2b: {  	s6 =	sld [smem:$0x3FA2]  }
0x2c: {  	s7 =	sld [smem:$0x3FA3]  }
0x2d: {  	s3 =	simm.s32 $0x108;
	s8 =	sld [smem:$0x3FA4]  }
0x2e: {  	s3 =	simm.s32 @!p0 $0x1082;
	s9 =	sld [smem:$0x3FA5]  }
0x2f: {  	lr =	sadd.s32 s0, s3;
	s0 =	sld [smem:$0x3F9C]  }
0x30: {  	s3 =	sld [smem:$0x3F9F]  }
0x31: {  	[smem:$0x3FA8] =	sst s10  }
0x32: {  	s10 =	sld [smem:$0x3FA6];
	_ =	sdelay $0x3  }
0x33: {  	p0 =	seq.s32 s10, $0x1;
	s10 =	sld [smem:$0x3FA8];
	_ =	sdelay $0x3  }
0x34: {  	[smem:$0x3FA8] =	sst s10  }
0x35: {  	s10 =	sld [smem:$0x3FA7];
	_ =	sdelay $0x3  }
0x36: {  	p1 =	seq.s32 s10, $0x1;
	s10 =	sld [smem:$0x3FA8];
	_ =	sdelay $0x3  }
0x37: {  	[smem:$0x3FA8] =	sst s10  }
0x38: {  	s10 =	sld [smem:$0x3FA9]  }
0x39: {  	_ = 	snop;
	(pc) =	sbr.ind lr, $3  }
0x3a: {  	_ = 	snop  }
0x3b: {  	_ = 	snop  }
0x3c: {  	p2 =	seq.s32 s10, $0x1;
	s10 =	sld [smem:$0x3FA8]  }
0x3d: {  	_ =	shalt  }
0x3e: {  	_ =	shalt  }
0x3f: {  	_ =	shalt  }
0x40: {  	_ =	shalt  }
0x41: {  	_ =	shalt  }
0x42: {  	_ =	shalt  }
0x43: {  	_ =	shalt  }
0x44: {  	_ =	shalt  }
0x45: {  	_ =	shalt  }
0x46: {  	_ =	shalt  }
0x47: {  	_ =	shalt  }
0x48: {  	_ =	shalt  }
0x49: {  	_ =	shalt  }
0x4a: {  	_ =	shalt  }
0x4b: {  	_ =	shalt  }
0x4c: {  	_ =	shalt  }
0x4d: {  	_ =	shalt  }
0x4e: {  	_ =	shalt  }
0x4f: {  	_ =	shalt  }
0x50: {  	_ =	shalt  }
0x51: {  	_ =	shalt  }
0x52: {  	_ =	shalt  }
0x53: {  	_ =	shalt  }
0x54: {  	_ =	shalt  }
0x55: {  	_ =	shalt  }
0x56: {  	_ =	shalt  }
0x57: {  	_ =	shalt  }
0x58: {  	_ =	shalt  }
0x59: {  	_ =	shalt  }
0x5a: {  	_ =	shalt  }
0x5b: {  	_ =	shalt  }
0x5c: {  	_ =	shalt  }
0x5d: {  	_ =	shalt  }
0x5e: {  	_ =	shalt  }
0x5f: {  	_ =	shalt  }
0x60: {  	_ =	shalt  }
0x61: {  	_ =	shalt  }
0x62: {  	_ =	shalt  }
0x63: {  	_ =	shalt  }
0x64: {  	_ =	shalt  }
0x65: {  	_ =	shalt  }
0x66: {  	_ =	shalt  }
0x67: {  	_ =	shalt  }
0x68: {  	_ =	shalt  }
0x69: {  	_ =	shalt  }
0x6a: {  	_ =	shalt  }
0x6b: {  	_ =	shalt  }
0x6c: {  	_ =	shalt  }
0x6d: {  	_ =	shalt  }
0x6e: {  	_ =	shalt  }
0x6f: {  	_ =	shalt  }
0x70: {  	_ =	shalt  }
0x71: {  	_ =	shalt  }
0x72: {  	_ =	shalt  }
0x73: {  	_ =	shalt  }
0x74: {  	_ =	shalt  }
0x75: {  	_ =	shalt  }
0x76: {  	_ =	shalt  }
0x77: {  	_ =	shalt  }
0x78: {  	_ =	shalt  }
0x79: {  	_ =	shalt  }
0x7a: {  	_ =	shalt  }
0x7b: {  	_ =	shalt  }
0x7c: {  	_ =	shalt  }
0x7d: {  	_ =	shalt  }
0x7e: {  	_ =	shalt  }
0x7f: {  	_ =	shalt  }
0x80: {  	_ =	shalt  }
0x81: {  	_ =	shalt  }
0x82: {  	_ =	shalt  }
0x83: {  	_ =	shalt  }
0x84: {  	_ =	shalt  }
0x85: {  	_ =	shalt  }
0x86: {  	_ =	shalt  }
0x87: {  	_ =	shalt  }
.Lfunc_end0:
.L_simem_size_0:
called_computation_lowered:
.L_overlay_start_0:
0x88: {  	s2 =	sld [smem:$0x3FD9]  }
0x89: {  	s3 =	sld [smem:$0x3FFE];
	_ =	sdelay $0x1  }
0x8a: {  	s1 =	srdreg.scid  }
0x8b: {  	s0 =	sand.u32 $0x1, s1  }
0x8c: {  	s14 =	sshll.u32 s0, $0xA;
	s2 =	sadd.s32 s3, s2  }
0x8d: {  	s2 =	sadd.s32 s2, s14  }
0x8e: {  	[smem:$0x3FB4] =	sst s2  }
0x8f: {  	_ = 	snop  }
0x90: {  	s2 =	sld [smem:$0x3FD0];
	_ =	sdelay $0x2  }
0x91: {  	s15 =	simm.s32 $0xA;
	s4 =	simm.s32 $0x10  }
0x92: {  	[smem:s4], [sflag:s15] =	dma.local [hbm:s2], $0x1  }
0x93: {  	_ =	swait.eq [sflag:s15], $0x1  }
0x94: {  	[sflag:s15] =	ssyncset.done $0x0  }
0x95: {  	s16 =	sld [smem:$0x11];
	[sflag:s15] =	ssyncadd.s32 $0xFFFFFFFF  }
0x96: {  	s17 =	sld [smem:$0x12];
	(tm) =	ssettm $0x1  }
0x97: {  	s18 =	sld [smem:$0x3FFB];
	_ =	sdelay $0x3  }
0x98: {  	_ =	strace s18  }
0x99: {  	s4 =	sld [smem:$0x3FFC];
	_ =	sdelay $0x3  }
0x9a: {  	_ =	strace s4  }
0x9b: {  	s4 =	sld [smem:$0x3FFD];
	_ =	sdelay $0x3  }
0x9c: {  	_ =	strace s4  }
0x9d: {  	_ =	strace $0x8FFFFFFF  }
0x9e: {  	s19 =	sld [smem:$0x3FDB];
	_ =	sdelay $0x1  }
0x9f: {  	s5 =	simm.s32 $_scs_section_size  }
0xa0: {  	s6 =	simm.s32 $_size__tile_overlayer_lowered;
	s7 =	simm.s32 $_tile_overlayer_lowered  }
0xa1: {  	s22 =	simm.s32 $0x1BFF;
	s21 =	sshll.u32 s7, $0x1;
	s4 =	sadd.s32 s5, s19  }
0xa2: {  	s8 =	simm.s32 $0x0;
	s20 =	sshll.u32 s6, $0x1;
	s6 =	sadd.s32 s21, s4  }
0xa3: {  	[timem:s8], [sflag:s22] =	dma.local [hbm:s6], s20  }
0xa4: {  	_ =	swait.ge [sflag:s22], s20  }
0xa5: {  	s5 =	ssub.s32 $0x0, s20;
	[sflag:s22] =	ssyncset.done $0x0  }
0xa6: {  	[sflag:s22] =	ssyncadd.s32 s5;
	_ =	sdelay $0x1  }
0xa7: {  	s23 =	simm.s32 $0x1B8B  }
0xa8: {  	_ =	swait.ge [sflag:s23], $0x1  }
0xa9: {  	[sflag:s23] =	ssyncset.done $0x0  }
0xaa: {  	s25 =	simm.s32 $0x1B8E;
	s24 =	sld [smem:$0x3FFE];
	[sflag:s23] =	ssyncadd.s32 $0xFFFFFFFF  }
0xab: {  	s26 =	simm.s32 $execute0_lowered;
	[smem:$0x3FD2] =	sst s25  }
0xac: {  	s6 =	sshll.u32 s26, $0x1;
	_ =	strace $0x80000046;
	[dreg:$0x1] =	wrdreg $0xFFFFFFFF  }
0xad: {  	s28 =	simm.s32 $_size_execute0_lowered;
	s4 =	sadd.s32 s4, s6;
	[dreg:$0x0] =	wrdreg $0x0  }
0xae: {  	s6 =	sshll.u32 s28, $0x1;
	[dreg:$0x2] =	wrdreg s4  }
0xaf: {  	[dreg:$0x3] =	wrdreg s6  }
0xb0: {  	[dreg:$0x4] =	wrdreg $0xC0  }
0xb1: {  	_ =	task [dreg:s8], $0x5FFFF  }
0xb2: {  	[dreg:$0x1] =	wrdreg $0xFFFFFFFF  }
0xb3: {  	[dreg:$0x0] =	wrdreg $0x60  }
0xb4: {  	[dreg:$0x2] =	wrdreg s24  }
0xb5: {  	[dreg:$0x3] =	wrdreg s16  }
0xb6: {  	[dreg:$0x4] =	wrdreg s17  }
0xb7: {  	[dreg:$0x5] =	wrdreg $0xD0000  }
0xb8: {  	[dreg:$0x6] =	wrdreg $0x9  }
0xb9: {  	_ =	task.clear_ibuf [dreg:s8], $0x7FFFF;
	_ =	strace $0x90000046  }
0xba: {  	s29 =	simm.s32 $0x9;
	_ =	strace $0x80000048  }
0xbb: {  	_ =	swait.ge [sflag:s29], $0x1  }
0xbc: {  	[sflag:s29] =	ssyncadd.s32 $0xFFFFFFFF  }
0xbd: {  	_ =	strace $0x90000048  }
0xbe: {  	_ =	sfence  }
0xbf: {  	s30 =	sld [smem:$0x0];
	_ =	sdelay $0x2  }
0xc0: {  	s31 =	sshll.u32 s1, $0xD;
	s1 =	sshrl.u32 s1, $0x2  }
0xc1: {  	s3 =	sand.u32 $0x4000, s31;
	s1 =	sadd.s32 s1, s30  }
0xc2: {  	s0 =	sor.u32 s3, s0;
	s1 =	sshll.u32 s1, $0x11  }
0xc3: {  	s0 =	sor.u32 s1, s0  }
0xc4: {  	s0 =	sadd.s32 $0x8F2B, s0  }
0xc5: {  	[sflag:s0] =	ssyncadd.remote.s32 $0x1  }
0xc6: {  	_ =	sfence.sel $0xFFFF  }
0xc7: {  	[dreg:$0x0] =	wrdreg $0xFFFFFFFF;
	(pc) =	sbr.abs _section_cstart, $3  }
0xc8: {  	[dreg:$0x1] =	wrdreg $0xFFFFFFFF  }
0xc9: {  	_ =	task.clear_ibuf [dreg:s8], $0x2FFFF;
	_ =	strace $0x9FFFFFFF  }
0xca: {  	(tm) =	ssettm $0x7FFFFFFF  }
0xcb: {  	_ =	shalt  }
tec
execute0_lowered:
.L_overlay_start_1:
0x0: {  	(tag) =	ssettag $0x1  }
0x1: {  	s6 =	rddreg [dreg:$0x0]  }
0x2: {  	s1 =	rddreg [dreg:$0x1]  }
0x3: {  	s2 =	rddreg [dreg:$0x2]  }
0x4: {  	s4 =	rddreg [dreg:$0x3]  }
0x5: {  	s3 =	srdreg.scid;
	s0 =	rddreg [dreg:$0x4];
	s5 =	simm.s32 $0x0  }
0x6: {  	s13 =	simm.s32 $0x2800;
	s14 =	simm.s32 $0x80;
	s15 =	simm.s32 $0x5000  }
0x7: {  	s16 =	simm.s32 $0x9000;
	s17 =	simm.s32 $0x1;
	s18 =	simm.s32 $0x2  }
0x8: {  	s19 =	simm.s32 $0x2780;
	s20 =	simm.s32 $0x4F00;
	s21 =	simm.s32 $0x4F80  }
0x9: {  	s22 =	simm.s32 $0x0;
	s7 =	sand.u32 $0x1, s3;
	s3 =	stileid.u32  }
0xa: {  	[smem:$0x7FF] =	sst s5;
	s8 =	sshll.u32 s7, $0x4;
	s9 =	smul.u32 $0x2800, s7  }
0xb: {  	s10 =	sshll.u32 s3, $0xA;
	_ =	strace $0x80000047;
	s7 =	ssub.s32 $0x2, s7  }
0xc: {  	p0 =	sgt.u32 s3, $0x9;
	s8 =	sor.u32 s3, s8;
	s31 =	sshrl.u32 s7, $0x1  }
0xd: {  	s12 =	sadd.s32 s10, s4;
	s8 =	smul.u32 $0x500, s8;
	s9 =	sadd.s32 s10, s9  }
0xe: {  	s11 =	ssub.s32 s7, s31;
	s10 =	sshll.u32 @!p0 s3, $0x6;
	s9 =	sshrl.u32 s9, $0x3  }
0xf: {  	s10 =	sor.u32 @!p0 $0x1C03, s10;
	s8 =	sadd.s32 s8, s6;
	s9 =	sadd.s32 s9, s6  }
0x10: {  	s6 =	sadd.s32 $0xCA00, s8;
	s7 =	sadd.s32 $0x2A00, s8;
	s8 =	sadd.s32 $0x20A00, s9  }
0x11: {  	s9 =	smax.u32 s11, $0x1;
	s11 =	sshrl.u32 @!p0 s12, $0x3;
	s12 =	simm.s32 $0x3  }
.LBB2_1:
0x12: {  	[spmem:s11], [sflag:s10] =	dma.local @!p0 [hbm:s2], $0x80  }
0x13: {  	s23 =	simm.s32 @!p0 $0x3  }
0x14: {  	_ =	swait.ge @!p0 [sflag:s23], $0x80  }
0x15: {  	[sflag:s23] =	ssyncset.done @!p0 $0x0  }
0x16: {  	[sflag:s23] =	ssyncadd.s32 @!p0 $0xFFFFFF80  }
0x17: {  	[tilespmem:s5], [sflag:$0x3] =	stream.linear.gather [hbm4b:s6+s5], $0x2800, $0x38;
	[tilespmem:$0xD280] =	vst v63  }
0x18: {  	_ =	swait.ge [sflag:s12], $0x2800  }
0x19: {  	[sflag:s12] =	ssyncset.done $0x0  }
0x1a: {  	[sflag:s12] =	ssyncadd.s32 $0xFFFFD800  }
0x1b: {  	[tilespmem:s13], [sflag:$0x3] =	stream.linear.gather [hbm4b:s7+s5], $0x2800, $0x38;
	[tilespmem:$0xD280] =	vst v63  }
0x1c: {  	_ =	swait.ge [sflag:s12], $0x2800  }
0x1d: {  	[sflag:s12] =	ssyncset.done $0x0  }
0x1e: {  	[sflag:s12] =	ssyncadd.s32 $0xFFFFD800  }
0x1f: {  	[bflag:$0x0] =	sbarrier.arrive $0xFFFF  }
0x20: {  	[tilespmem:s15], [sflag:$0x1] =	stream.indirect.gather [hbm4b:s1+s14], $0x80, s5, s14, $0xb8;
	[tilespmem:$0xD280] =	vst v63  }
0x21: {  	s28 =	simm.s32 $0x80  }
0x22: {  	[tilespmem:s16], [sflag:$0x2] =	stream.indirect.gather [hbm4b:s1+s14], $0x80, s28, s14, $0xb8;
	[tilespmem:$0xD280] =	vst v63  }
0x23: {  	_ =	swait.ge [sflag:s17], $0x4000  }
0x24: {  	[sflag:s17] =	ssyncset.done $0x0  }
0x25: {  	s29 =	simm.s32 $0x2800;
	[sflag:s17] =	ssyncadd.s32 $0xFFFFC000  }
0x26: {  	[spmem:s4] =	stream.indirect.scatter.add.f32 [tilespmem:s15], [sflag:$0x3], $0x80, s29, s14, $0xb8;
	[tilespmem:$0xD280] =	vst v63  }
0x27: {  	_ =	swait.ge [sflag:s12], $0x4000  }
0x28: {  	[sflag:s12] =	ssyncset.done $0x0  }
0x29: {  	s30 =	simm.s32 $0x100;
	[sflag:s12] =	ssyncadd.s32 $0xFFFFC000  }
0x2a: {  	[tilespmem:s15], [sflag:$0x1] =	stream.indirect.gather [hbm4b:s1+s14], $0x80, s30, s14, $0xb8;
	[tilespmem:$0xD280] =	vst v63  }
0x2b: {  	_ =	swait.ge [sflag:s18], $0x4000  }
0x2c: {  	[sflag:s18] =	ssyncset.done $0x0  }
0x2d: {  	s31 =	simm.s32 $0x2880;
	[sflag:s18] =	ssyncadd.s32 $0xFFFFC000  }
0x2e: {  	[spmem:s4] =	stream.indirect.scatter.add.f32 [tilespmem:s16], [sflag:$0x3], $0x80, s31, s14, $0xb8;
	[tilespmem:$0xD280] =	vst v63  }
0x2f: {  	_ =	swait.ge [sflag:s12], $0x4000  }
0x30: {  	s24 =	simm.s32 $0x800;
	s23 =	simm.s32 $0x100;
	[sflag:s12] =	ssyncset.done $0x0  }
.LBB2_2:
0x31: {  	s25 =	sadd.s32 $0x80, s23  }
0x32: {  	[sflag:s12] =	ssyncadd.s32 $0xFFFFC000;
	s26 =	smov.u32 s24;
	s28 =	sadd.s32 $0x400, s24  }
0x33: {  	[tilespmem:s16], [sflag:$0x2] =	stream.indirect.gather [hbm4b:s1+s14], $0x80, s25, s14, $0xb8;
	[tilespmem:$0xD280] =	vst v63  }
0x34: {  	p1 =	sne.s32 s24, $0x9800;
	_ =	swait.ge [sflag:s17], $0x4000  }
0x35: {  	[sflag:s17] =	ssyncset.done $0x0  }
0x36: {  	s24 =	sadd.s32 $0x2800, s23;
	[sflag:s17] =	ssyncadd.s32 $0xFFFFC000  }
0x37: {  	[spmem:s4] =	stream.indirect.scatter.add.f32 [tilespmem:s15], [sflag:$0x3], $0x80, s24, s14, $0xb8;
	[tilespmem:$0xD280] =	vst v63  }
0x38: {  	_ =	swait.ge [sflag:s12], $0x4000  }
0x39: {  	[sflag:s12] =	ssyncset.done $0x0  }
0x3a: {  	s24 =	sadd.s32 $0x100, s23;
	[sflag:s12] =	ssyncadd.s32 $0xFFFFC000  }
0x3b: {  	[tilespmem:s15], [sflag:$0x1] =	stream.indirect.gather [hbm4b:s1+s14], $0x80, s24, s14, $0xb8;
	[tilespmem:$0xD280] =	vst v63  }
0x3c: {  	_ =	swait.ge [sflag:s18], $0x4000  }
.Ltmp0:
0x3d: {  	[sflag:s18] =	ssyncset.done $0x0;
	(pc) =	sbr.rel @p1 .LBB2_2-.Ltmp0, $4  }
0x3e: {  	s23 =	sadd.s32 $0x2880, s23;
	[sflag:s18] =	ssyncadd.s32 $0xFFFFC000  }
0x3f: {  	[spmem:s4] =	stream.indirect.scatter.add.f32 [tilespmem:s16], [sflag:$0x3], $0x80, s23, s14, $0xb8;
	[tilespmem:$0xD280] =	vst v63  }
0x40: {  	_ =	swait.ge [sflag:s12], $0x4000  }
0x41: {  	s24 =	smov.u32 s28;
	s23 =	sshra.s32 s26, $0x2;
	[sflag:s12] =	ssyncset.done $0x0  }
0x42: {  	s24 =	sadd.s32 $0x80, s23;
	[sflag:s12] =	ssyncadd.s32 $0xFFFFC000  }
0x43: {  	[tilespmem:s16], [sflag:$0x2] =	stream.indirect.gather [hbm4b:s1+s14], $0x80, s24, s14, $0xb8;
	[tilespmem:$0xD280] =	vst v63  }
0x44: {  	_ =	swait.ge [sflag:s17], $0x4000  }
0x45: {  	[sflag:s17] =	ssyncset.done $0x0  }
0x46: {  	s29 =	sadd.s32 $0x2800, s23;
	[sflag:s17] =	ssyncadd.s32 $0xFFFFC000  }
0x47: {  	[spmem:s4] =	stream.indirect.scatter.add.f32 [tilespmem:s15], [sflag:$0x3], $0x80, s29, s14, $0xb8;
	[tilespmem:$0xD280] =	vst v63  }
0x48: {  	_ =	swait.ge [sflag:s12], $0x4000  }
0x49: {  	[sflag:s12] =	ssyncset.done $0x0  }
0x4a: {  	s30 =	sadd.s32 $0x100, s23;
	[sflag:s12] =	ssyncadd.s32 $0xFFFFC000  }
0x4b: {  	[tilespmem:s15], [sflag:$0x1] =	stream.indirect.gather [hbm4b:s1+s14], $0x80, s30, s14, $0xb8;
	[tilespmem:$0xD280] =	vst v63  }
0x4c: {  	_ =	swait.ge [sflag:s18], $0x4000  }
0x4d: {  	[sflag:s18] =	ssyncset.done $0x0  }
0x4e: {  	s31 =	sadd.s32 $0x2880, s23;
	[sflag:s18] =	ssyncadd.s32 $0xFFFFC000  }
0x4f: {  	[spmem:s4] =	stream.indirect.scatter.add.f32 [tilespmem:s16], [sflag:$0x3], $0x80, s31, s14, $0xb8;
	[tilespmem:$0xD280] =	vst v63  }
0x50: {  	_ =	swait.ge [sflag:s12], $0x4000  }
0x51: {  	[sflag:s12] =	ssyncset.done $0x0  }
0x52: {  	[sflag:s12] =	ssyncadd.s32 $0xFFFFC000  }
0x53: {  	[tilespmem:s16], [sflag:$0x2] =	stream.indirect.gather [hbm4b:s1+s14], $0x80, s19, s14, $0xb8;
	[tilespmem:$0xD280] =	vst v63  }
0x54: {  	_ =	swait.ge [sflag:s17], $0x4000  }
0x55: {  	[sflag:s17] =	ssyncset.done $0x0  }
0x56: {  	[sflag:s17] =	ssyncadd.s32 $0xFFFFC000  }
0x57: {  	[spmem:s4] =	stream.indirect.scatter.add.f32 [tilespmem:s15], [sflag:$0x3], $0x80, s20, s14, $0xb8;
	[tilespmem:$0xD280] =	vst v63  }
0x58: {  	_ =	swait.ge [sflag:s12], $0x4000  }
0x59: {  	[sflag:s12] =	ssyncset.done $0x0  }
0x5a: {  	[sflag:s12] =	ssyncadd.s32 $0xFFFFC000  }
0x5b: {  	_ =	swait.ge [sflag:s18], $0x4000  }
0x5c: {  	[sflag:s18] =	ssyncset.done $0x0  }
0x5d: {  	[sflag:s18] =	ssyncadd.s32 $0xFFFFC000  }
0x5e: {  	[spmem:s4] =	stream.indirect.scatter.add.f32 [tilespmem:s16], [sflag:$0x3], $0x80, s21, s14, $0xb8;
	[tilespmem:$0xD280] =	vst v63  }
0x5f: {  	_ =	swait.ge [sflag:s12], $0x4000  }
0x60: {  	s22 =	sadd.s32 $0x1, s22;
	[sflag:s12] =	ssyncset.done $0x0  }
0x61: {  	p1 =	sne.s32 s22, s9;
	[sflag:s12] =	ssyncadd.s32 $0xFFFFC000  }
.Ltmp1:
0x62: {  	s23 =	simm.s32 @!p0 $0x3;
	[bflag:$0x0] =	sbarrier.arrive $0xFFFF;
	(pc) =	sbr.rel @p1 .LBB2_1-.Ltmp1, $4  }
0x63: {  	[hbm:s8], [sflag:s10] =	dma.local @!p0 [spmem:s11], $0x80  }
0x64: {  	_ =	swait.ge @!p0 [sflag:s23], $0x80  }
0x65: {  	[sflag:s23] =	ssyncset.done @!p0 $0x0  }
0x66: {  	[sflag:s23] =	ssyncadd.s32 @!p0 $0xFFFFFF80  }
0x67: {  	_ =	sfence.sel $0x180000  }
0x68: {  	[bflag:$0x0] =	sbarrier.arrive $0xFFFF  }
0x69: {  	p0 =	sne.s32 s3, $0x0;
	_ =	strace $0x90000047  }
0x6a: {  	s0 =	sadd.s32 @!p0 $0x100000, s0;
	[bflag:$0x2] =	sbarrier.arrive $0xFFFF  }
0x6b: {  	[sflag:s0] =	ssyncadd.tile.s32 @!p0 $0x1;
	_ =	shalt  }
.Lfunc_end2:
_tile_overlayer_lowered:
.L_overlay_start_2:
0x6c: {  	(tag) =	ssettag $0x2  }
0x6d: {  	s0 =	rddreg [dreg:$0x0];
	s2 =	stileid.u32  }
0x6e: {  	s1 =	rddreg [dreg:$0x1];
	p0 =	sne.s32 s2, $0x0  }
0x6f: {  	s3 =	rddreg [dreg:$0x2];
	[bflag:$0x3] =	sbarrier.arrive $0xFFFF;
	s2 =	simm.s32 @!p0 $0x1C03  }
0x70: {  	[timem:s3], [sflag:s2] =	dma.local @!p0 [hbm:s0], s1  }
0x71: {  	s0 =	simm.s32 @!p0 $0x3  }
0x72: {  	_ =	swait.ge @!p0 [sflag:s0], s1  }
0x73: {  	s1 =	ssub.s32 @!p0 $0x0, s1;
	[sflag:s0] =	ssyncset.done @!p0 $0x0  }
0x74: {  	[sflag:s0] =	ssyncadd.s32 @!p0 s1  }
0x75: {  	[bflag:$0x3] =	sbarrier.arrive $0xFFFF  }
0x76: {  	_ =	shalt  }

// kernel: kernel.9.cloned.1.call-start
scs
__scs_entry_jumppad:
0x0: {  	(pc) =	sbr.rel $0x88, $3  }
0x1: {  	(tag) =	ssettag $0x0;
	lr =	simm.s32 $0x1  }
0x2: {  	[smem:$0x3F8D] =	sst lr;
	_ =	strace $0xD0000000  }
0x3: {  	_ = 	snop  }
0x4: {  	_ = 	snop  }
0x5: {  	_ = 	snop  }
0x6: {  	_ = 	snop  }
0x7: {  	_ = 	snop  }
__scs_overlays_trampoline_lowered:
0x8: {  	[smem:$0x3F9C] =	sst s0  }
0x9: {  	[smem:$0x3F9D] =	sst s1  }
0xa: {  	[smem:$0x3F9E] =	sst s2  }
0xb: {  	[smem:$0x3F9F] =	sst s3  }
0xc: {  	[smem:$0x3FA0] =	sst s4  }
0xd: {  	[smem:$0x3FA1] =	sst s5  }
0xe: {  	[smem:$0x3FA2] =	sst s6  }
0xf: {  	[smem:$0x3FA3] =	sst s7  }
0x10: {  	[smem:$0x3FA4] =	sst s8  }
0x11: {  	[smem:$0x3FA5] =	sst s9;
	s0 =	simm.s32 @!p0 $0x0  }
0x12: {  	s1 =	sld [smem:$0x3F8B];
	s0 =	simm.s32 @p0 $0x1  }
0x13: {  	[smem:$0x3FA6] =	sst s0;
	s0 =	simm.s32 @!p1 $0x0  }
0x14: {  	s2 =	sld [smem:$0x3F8A];
	s0 =	simm.s32 @p1 $0x1  }
0x15: {  	[smem:$0x3FA7] =	sst s0;
	s0 =	simm.s32 @!p2 $0x0  }
0x16: {  	s3 =	sld [smem:$0x3FDB];
	s0 =	simm.s32 @p2 $0x1  }
0x17: {  	s4 =	simm.s32 $0x1BF5;
	[smem:$0x3FA9] =	sst s0  }
0x18: {  	s0 =	sld [smem:$0x3F8C];
	_ =	swait.ge [sflag:s4], $0x0  }
0x19: {  	s7 =	sld [smem:$0x3F8D]  }
0x1a: {  	s8 =	sadd.s32 $0xFFFFE003, lr  }
0x1b: {  	s9 =	sadd.s32 $0xFFFFFEF7, lr;
	s5 =	simm.s32 $0xFFFFFFFF;
	p2 =	slt.u32 s8, $0xFFFFF086  }
0x1c: {  	p1 =	slt.u32 s9, $0xF7A;
	s5 =	simm.s32 @!p2 $0x0  }
0x1d: {  	s5 =	simm.s32 @p1 $0x1;
	p0 =	seq.s32 s7, s2  }
0x1e: {  	s7 =	smul.u32 @!p0 $0xF7A, s2;
	p2 =	seq.s32 @!p0 s5, $0x0  }
0x1f: {  	s9 =	smul.u32 $0xF7A, s1;
	s8 =	simm.s32 @!p0 $0x1BF5;
	p2 =	por !p2, p0  }
0x20: {  	[sflag:s8] =	ssyncset.s32 @!p0 $0xFFFFF086;
	s6 =	sadd.s32 @!p0 s3, s7;
	s7 =	simm.s32 @!p0 $0x108  }
0x21: {  	s3 =	sadd.s32 s3, s9;
	s6 =	sadd.s32 @!p0 $0x88, s6;
	s7 =	simm.s32 @p2 $0x1082  }
0x22: {  	[simem:s7], [sflag:s8] =	dma.local @!p0 [hbm:s6], $0xF7A  }
0x23: {  	s9 =	sor.u32 $0xD0000000, s2;
	s6 =	simm.s32 $0x108;
	_ =	swait.ge @!p0 [sflag:s8], $0x0  }
0x24: {  	s3 =	sadd.s32 $0x88, s3;
	s6 =	simm.s32 @!p1 $0x1082;
	[sflag:s4] =	ssyncset.s32 $0xFFFFF086  }
0x25: {  	[simem:s6], [sflag:s4] =	dma.local [hbm:s3], $0xF7A  }
0x26: {  	[smem:$0x3F8D] =	sst s1;
	(tag) =	ssettag s2;
	_ =	strace s9  }
0x27: {  	s1 =	sld [smem:$0x3F9D]  }
0x28: {  	s2 =	sld [smem:$0x3F9E]  }
0x29: {  	s4 =	sld [smem:$0x3FA0]  }
0x2a: {  	p0 =	seq.s32 s5, $0x0;
	s5 =	sld [smem:$0x3FA1]  }
0x2b: {  	s6 =	sld [smem:$0x3FA2]  }
0x2c: {  	s7 =	sld [smem:$0x3FA3]  }
0x2d: {  	s3 =	simm.s32 $0x108;
	s8 =	sld [smem:$0x3FA4]  }
0x2e: {  	s3 =	simm.s32 @!p0 $0x1082;
	s9 =	sld [smem:$0x3FA5]  }
0x2f: {  	lr =	sadd.s32 s0, s3;
	s0 =	sld [smem:$0x3F9C]  }
0x30: {  	s3 =	sld [smem:$0x3F9F]  }
0x31: {  	[smem:$0x3FA8] =	sst s10  }
0x32: {  	s10 =	sld [smem:$0x3FA6];
	_ =	sdelay $0x3  }
0x33: {  	p0 =	seq.s32 s10, $0x1;
	s10 =	sld [smem:$0x3FA8];
	_ =	sdelay $0x3  }
0x34: {  	[smem:$0x3FA8] =	sst s10  }
0x35: {  	s10 =	sld [smem:$0x3FA7];
	_ =	sdelay $0x3  }
0x36: {  	p1 =	seq.s32 s10, $0x1;
	s10 =	sld [smem:$0x3FA8];
	_ =	sdelay $0x3  }
0x37: {  	[smem:$0x3FA8] =	sst s10  }
0x38: {  	s10 =	sld [smem:$0x3FA9]  }
0x39: {  	_ = 	snop;
	(pc) =	sbr.ind lr, $3  }
0x3a: {  	_ = 	snop  }
0x3b: {  	_ = 	snop  }
0x3c: {  	p2 =	seq.s32 s10, $0x1;
	s10 =	sld [smem:$0x3FA8]  }
0x3d: {  	_ =	shalt  }
0x3e: {  	_ =	shalt  }
0x3f: {  	_ =	shalt  }
0x40: {  	_ =	shalt  }
0x41: {  	_ =	shalt  }
0x42: {  	_ =	shalt  }
0x43: {  	_ =	shalt  }
0x44: {  	_ =	shalt  }
0x45: {  	_ =	shalt  }
0x46: {  	_ =	shalt  }
0x47: {  	_ =	shalt  }
0x48: {  	_ =	shalt  }
0x49: {  	_ =	shalt  }
0x4a: {  	_ =	shalt  }
0x4b: {  	_ =	shalt  }
0x4c: {  	_ =	shalt  }
0x4d: {  	_ =	shalt  }
0x4e: {  	_ =	shalt  }
0x4f: {  	_ =	shalt  }
0x50: {  	_ =	shalt  }
0x51: {  	_ =	shalt  }
0x52: {  	_ =	shalt  }
0x53: {  	_ =	shalt  }
0x54: {  	_ =	shalt  }
0x55: {  	_ =	shalt  }
0x56: {  	_ =	shalt  }
0x57: {  	_ =	shalt  }
0x58: {  	_ =	shalt  }
0x59: {  	_ =	shalt  }
0x5a: {  	_ =	shalt  }
0x5b: {  	_ =	shalt  }
0x5c: {  	_ =	shalt  }
0x5d: {  	_ =	shalt  }
0x5e: {  	_ =	shalt  }
0x5f: {  	_ =	shalt  }
0x60: {  	_ =	shalt  }
0x61: {  	_ =	shalt  }
0x62: {  	_ =	shalt  }
0x63: {  	_ =	shalt  }
0x64: {  	_ =	shalt  }
0x65: {  	_ =	shalt  }
0x66: {  	_ =	shalt  }
0x67: {  	_ =	shalt  }
0x68: {  	_ =	shalt  }
0x69: {  	_ =	shalt  }
0x6a: {  	_ =	shalt  }
0x6b: {  	_ =	shalt  }
0x6c: {  	_ =	shalt  }
0x6d: {  	_ =	shalt  }
0x6e: {  	_ =	shalt  }
0x6f: {  	_ =	shalt  }
0x70: {  	_ =	shalt  }
0x71: {  	_ =	shalt  }
0x72: {  	_ =	shalt  }
0x73: {  	_ =	shalt  }
0x74: {  	_ =	shalt  }
0x75: {  	_ =	shalt  }
0x76: {  	_ =	shalt  }
0x77: {  	_ =	shalt  }
0x78: {  	_ =	shalt  }
0x79: {  	_ =	shalt  }
0x7a: {  	_ =	shalt  }
0x7b: {  	_ =	shalt  }
0x7c: {  	_ =	shalt  }
0x7d: {  	_ =	shalt  }
0x7e: {  	_ =	shalt  }
0x7f: {  	_ =	shalt  }
0x80: {  	_ =	shalt  }
0x81: {  	_ =	shalt  }
0x82: {  	_ =	shalt  }
0x83: {  	_ =	shalt  }
0x84: {  	_ =	shalt  }
0x85: {  	_ =	shalt  }
0x86: {  	_ =	shalt  }
0x87: {  	_ =	shalt  }
.Lfunc_end0:
.L_simem_size_0:
called_computation.1_lowered:
.L_overlay_start_0:
0x88: {  	s2 =	sld [smem:$0x3FD9]  }
0x89: {  	s3 =	sld [smem:$0x3FFE];
	_ =	sdelay $0x1  }
0x8a: {  	s1 =	srdreg.scid  }
0x8b: {  	s0 =	sand.u32 $0x1, s1  }
0x8c: {  	s16 =	sshll.u32 s0, $0xA;
	s2 =	sadd.s32 s3, s2  }
0x8d: {  	s2 =	sadd.s32 s2, s16  }
0x8e: {  	[smem:$0x3FB4] =	sst s2  }
0x8f: {  	_ = 	snop  }
0x90: {  	(tm) =	ssettm $0x1  }
0x91: {  	s17 =	sld [smem:$0x3FFB];
	_ =	sdelay $0x3  }
0x92: {  	_ =	strace s17  }
0x93: {  	s2 =	sld [smem:$0x3FFC];
	_ =	sdelay $0x3  }
0x94: {  	_ =	strace s2  }
0x95: {  	s2 =	sld [smem:$0x3FFD];
	_ =	sdelay $0x3  }
0x96: {  	_ =	strace s2  }
0x97: {  	_ =	strace $0x8FFFFFFF  }
0x98: {  	s18 =	sld [smem:$0x3FDB];
	_ =	sdelay $0x1  }
0x99: {  	s19 =	simm.s32 $_scs_section_size  }
0x9a: {  	s4 =	simm.s32 $_size__tile_overlayer_lowered;
	s5 =	simm.s32 $_tile_overlayer_lowered  }
0x9b: {  	s22 =	simm.s32 $0x1BFF;
	s21 =	sshll.u32 s5, $0x1;
	s2 =	sadd.s32 s19, s18  }
0x9c: {  	s6 =	simm.s32 $0x0;
	s20 =	sshll.u32 s4, $0x1;
	s4 =	sadd.s32 s21, s2  }
0x9d: {  	[timem:s6], [sflag:s22] =	dma.local [hbm:s4], s20  }
0x9e: {  	_ =	swait.ge [sflag:s22], s20  }
0x9f: {  	s3 =	ssub.s32 $0x0, s20;
	[sflag:s22] =	ssyncset.done $0x0  }
0xa0: {  	[sflag:s22] =	ssyncadd.s32 s3;
	_ =	sdelay $0x1  }
0xa1: {  	s23 =	simm.s32 $0x1B8B  }
0xa2: {  	_ =	swait.ge [sflag:s23], $0x1  }
0xa3: {  	[sflag:s23] =	ssyncset.done $0x0  }
0xa4: {  	s25 =	simm.s32 $0x1B8E;
	s24 =	sld [smem:$0x3FFE];
	[sflag:s23] =	ssyncadd.s32 $0xFFFFFFFF  }
0xa5: {  	s26 =	simm.s32 $execute0_lowered;
	[smem:$0x3FD2] =	sst s25  }
0xa6: {  	s4 =	sshll.u32 s26, $0x1;
	_ =	strace $0x80000049;
	[dreg:$0x1] =	wrdreg $0xFFFFFFFF  }
0xa7: {  	s28 =	simm.s32 $_size_execute0_lowered;
	s2 =	sadd.s32 s2, s4;
	[dreg:$0x0] =	wrdreg $0x0  }
0xa8: {  	s4 =	sshll.u32 s28, $0x1;
	[dreg:$0x2] =	wrdreg s2  }
0xa9: {  	[dreg:$0x3] =	wrdreg s4  }
0xaa: {  	[dreg:$0x4] =	wrdreg $0xC0  }
0xab: {  	_ =	task [dreg:s6], $0x5FFFF  }
0xac: {  	[dreg:$0x1] =	wrdreg $0xFFFFFFFF  }
0xad: {  	[dreg:$0x0] =	wrdreg $0x60  }
0xae: {  	[dreg:$0x2] =	wrdreg s24  }
0xaf: {  	[dreg:$0x3] =	wrdreg $0xA8000  }
0xb0: {  	[dreg:$0x4] =	wrdreg $0x9  }
0xb1: {  	_ =	task.clear_ibuf [dreg:s6], $0x5FFFF;
	_ =	strace $0x90000049  }
0xb2: {  	s29 =	simm.s32 $0x9;
	_ =	strace $0x8000004B  }
0xb3: {  	_ =	swait.ge [sflag:s29], $0x1  }
0xb4: {  	[sflag:s29] =	ssyncadd.s32 $0xFFFFFFFF  }
0xb5: {  	_ =	strace $0x9000004B  }
0xb6: {  	_ =	sfence  }
0xb7: {  	s30 =	sld [smem:$0x0];
	_ =	sdelay $0x2  }
0xb8: {  	s31 =	sshll.u32 s1, $0xD;
	s1 =	sshrl.u32 s1, $0x2  }
0xb9: {  	s3 =	sand.u32 $0x4000, s31;
	s1 =	sadd.s32 s1, s30  }
0xba: {  	s0 =	sor.u32 s3, s0;
	s1 =	sshll.u32 s1, $0x11  }
0xbb: {  	s0 =	sor.u32 s1, s0  }
0xbc: {  	s0 =	sadd.s32 $0x8F2B, s0  }
0xbd: {  	[sflag:s0] =	ssyncadd.remote.s32 $0x1  }
0xbe: {  	_ =	sfence.sel $0xFFFF  }
0xbf: {  	[dreg:$0x0] =	wrdreg $0xFFFFFFFF;
	(pc) =	sbr.abs _section_cstart, $3  }
0xc0: {  	[dreg:$0x1] =	wrdreg $0xFFFFFFFF  }
0xc1: {  	_ =	task.clear_ibuf [dreg:s6], $0x2FFFF;
	_ =	strace $0x9FFFFFFF  }
0xc2: {  	(tm) =	ssettm $0x7FFFFFFF  }
0xc3: {  	_ =	shalt  }
tec
execute0_lowered:
.L_overlay_start_1:
0x0: {  	(tag) =	ssettag $0x1  }
0x1: {  	s6 =	rddreg [dreg:$0x0]  }
0x2: {  	s1 =	rddreg [dreg:$0x1]  }
0x3: {  	s2 =	srdreg.scid;
	s0 =	rddreg [dreg:$0x2]  }
0x4: {  	s3 =	simm.s32 $0x0;
	s15 =	simm.s32 $0x1400;
	s16 =	simm.s32 $0x80  }
0x5: {  	s17 =	simm.s32 $0x2800;
	s18 =	simm.s32 $0x6800;
	s19 =	simm.s32 $0x1  }
0x6: {  	s20 =	simm.s32 $0x2;
	s21 =	simm.s32 $0x1380;
	s22 =	simm.s32 $0x2700  }
0x7: {  	s5 =	sand.u32 $0x1, s2;
	s2 =	stileid.u32;
	[smem:$0x7FF] =	sst s3  }
0x8: {  	s9 =	sadd.s32 $0x21400, s6;
	s10 =	sadd.s32 $0x16A00, s6;
	s7 =	smul.u32 $0x140000, s5  }
0x9: {  	s4 =	sadd.s32 $0x7B400, s6;
	s8 =	smul.u32 $0x14000, s2;
	_ =	strace $0x8000004A  }
0xa: {  	s23 =	sshll.u32 s5, $0x4;
	s11 =	ssub.s32 $0x2, s5;
	s25 =	smul.u32 $0x50000, s2  }
0xb: {  	s5 =	sadd.s32 $0x2A00, s6;
	s28 =	sshll.u32 s2, $0x6;
	s24 =	sor.u32 s2, s23  }
0xc: {  	s12 =	sshrl.u32 s11, $0x1;
	s23 =	simm.s32 $0x2780;
	s7 =	sadd.s32 s8, s7  }
0xd: {  	s13 =	smul.u32 $0x2800, s24;
	s12 =	ssub.s32 s11, s12;
	s26 =	sshrl.u32 s25, $0x2  }
0xe: {  	s24 =	simm.s32 $0x0;
	s7 =	sshrl.u32 s7, $0x3;
	s30 =	sadd.s32 s26, s1  }
0xf: {  	s12 =	smax.u32 s12, $0x1;
	s14 =	sadd.s32 s7, s6;
	s29 =	sshrl.u32 s13, $0x3  }
0x10: {  	s6 =	sor.u32 $0x1C03, s28;
	s13 =	sshrl.u32 s30, $0x3;
	s31 =	sadd.s32 $0x280, s29  }
0x11: {  	s7 =	sadd.s32 s9, s29;
	s8 =	sadd.s32 s10, s29;
	s11 =	sadd.s32 $0xA3400, s14  }
0x12: {  	s14 =	simm.s32 $0x3;
	s9 =	sadd.s32 s9, s31;
	s10 =	sadd.s32 s10, s31  }
.LBB2_1:
0x13: {  	[spmem:s13], [sflag:s6] =	dma.local [hbm:s5], $0x2800  }
0x14: {  	_ =	swait.ge [sflag:s14], $0x2800  }
0x15: {  	[sflag:s14] =	ssyncset.done $0x0  }
0x16: {  	[sflag:s14] =	ssyncadd.s32 $0xFFFFD800  }
0x17: {  	[bflag:$0x0] =	sbarrier.arrive $0xFFFF  }
0x18: {  	[tilespmem:s3], [sflag:$0x3] =	stream.linear.gather [hbm4b:s7+s3], $0x1400, $0x38;
	[tilespmem:$0x1E800] =	vst v63  }
0x19: {  	_ =	swait.ge [sflag:s14], $0x1400  }
0x1a: {  	[sflag:s14] =	ssyncset.done $0x0  }
0x1b: {  	[sflag:s14] =	ssyncadd.s32 $0xFFFFEC00  }
0x1c: {  	[tilespmem:s15], [sflag:$0x3] =	stream.linear.gather [hbm4b:s8+s3], $0x1400, $0x38;
	[tilespmem:$0x1E800] =	vst v63  }
0x1d: {  	_ =	swait.ge [sflag:s14], $0x1400  }
0x1e: {  	[sflag:s14] =	ssyncset.done $0x0  }
0x1f: {  	[sflag:s14] =	ssyncadd.s32 $0xFFFFEC00  }
0x20: {  	[tilespmem:s17], [sflag:$0x1] =	stream.indirect.gather [hbm4b:s4+s16], $0x80, s3, s16, $0xb8;
	[tilespmem:$0x1E800] =	vst v63  }
0x21: {  	s25 =	simm.s32 $0x80  }
0x22: {  	[tilespmem:s18], [sflag:$0x2] =	stream.indirect.gather [hbm4b:s4+s16], $0x80, s25, s16, $0xb8;
	[tilespmem:$0x1E800] =	vst v63  }
0x23: {  	_ =	swait.ge [sflag:s19], $0x4000  }
0x24: {  	[sflag:s19] =	ssyncset.done $0x0  }
0x25: {  	s29 =	simm.s32 $0x1400;
	[sflag:s19] =	ssyncadd.s32 $0xFFFFC000  }
0x26: {  	[spmem:s1] =	stream.indirect.scatter.add.f32 [tilespmem:s17], [sflag:$0x3], $0x80, s29, s16, $0xb8;
	[tilespmem:$0x1E800] =	vst v63  }
0x27: {  	_ =	swait.ge [sflag:s14], $0x4000  }
0x28: {  	[sflag:s14] =	ssyncset.done $0x0  }
0x29: {  	s30 =	simm.s32 $0x100;
	[sflag:s14] =	ssyncadd.s32 $0xFFFFC000  }
0x2a: {  	[tilespmem:s17], [sflag:$0x1] =	stream.indirect.gather [hbm4b:s4+s16], $0x80, s30, s16, $0xb8;
	[tilespmem:$0x1E800] =	vst v63  }
0x2b: {  	_ =	swait.ge [sflag:s20], $0x4000  }
0x2c: {  	[sflag:s20] =	ssyncset.done $0x0  }
0x2d: {  	s31 =	simm.s32 $0x1480;
	[sflag:s20] =	ssyncadd.s32 $0xFFFFC000  }
0x2e: {  	[spmem:s1] =	stream.indirect.scatter.add.f32 [tilespmem:s18], [sflag:$0x3], $0x80, s31, s16, $0xb8;
	[tilespmem:$0x1E800] =	vst v63  }
0x2f: {  	_ =	swait.ge [sflag:s14], $0x4000  }
0x30: {  	s26 =	simm.s32 $0x800;
	s25 =	simm.s32 $0x100;
	[sflag:s14] =	ssyncset.done $0x0  }
.LBB2_2:
0x31: {  	s28 =	sadd.s32 $0x80, s25  }
0x32: {  	[sflag:s14] =	ssyncadd.s32 $0xFFFFC000;
	s29 =	smov.u32 s26;
	s30 =	sadd.s32 $0x400, s26  }
0x33: {  	[tilespmem:s18], [sflag:$0x2] =	stream.indirect.gather [hbm4b:s4+s16], $0x80, s28, s16, $0xb8;
	[tilespmem:$0x1E800] =	vst v63  }
0x34: {  	p0 =	sne.s32 s26, $0x4800;
	_ =	swait.ge [sflag:s19], $0x4000  }
0x35: {  	[sflag:s19] =	ssyncset.done $0x0  }
0x36: {  	s26 =	sadd.s32 $0x1400, s25;
	[sflag:s19] =	ssyncadd.s32 $0xFFFFC000  }
0x37: {  	[spmem:s1] =	stream.indirect.scatter.add.f32 [tilespmem:s17], [sflag:$0x3], $0x80, s26, s16, $0xb8;
	[tilespmem:$0x1E800] =	vst v63  }
0x38: {  	_ =	swait.ge [sflag:s14], $0x4000  }
0x39: {  	[sflag:s14] =	ssyncset.done $0x0  }
0x3a: {  	s26 =	sadd.s32 $0x100, s25;
	[sflag:s14] =	ssyncadd.s32 $0xFFFFC000  }
0x3b: {  	[tilespmem:s17], [sflag:$0x1] =	stream.indirect.gather [hbm4b:s4+s16], $0x80, s26, s16, $0xb8;
	[tilespmem:$0x1E800] =	vst v63  }
0x3c: {  	_ =	swait.ge [sflag:s20], $0x4000  }
.Ltmp0:
0x3d: {  	[sflag:s20] =	ssyncset.done $0x0;
	(pc) =	sbr.rel @p0 .LBB2_2-.Ltmp0, $4  }
0x3e: {  	s25 =	sadd.s32 $0x1480, s25;
	[sflag:s20] =	ssyncadd.s32 $0xFFFFC000  }
0x3f: {  	[spmem:s1] =	stream.indirect.scatter.add.f32 [tilespmem:s18], [sflag:$0x3], $0x80, s25, s16, $0xb8;
	[tilespmem:$0x1E800] =	vst v63  }
0x40: {  	_ =	swait.ge [sflag:s14], $0x4000  }
0x41: {  	s26 =	smov.u32 s30;
	s25 =	sshra.s32 s29, $0x2;
	[sflag:s14] =	ssyncset.done $0x0  }
0x42: {  	s26 =	sadd.s32 $0x80, s25;
	[sflag:s14] =	ssyncadd.s32 $0xFFFFC000  }
0x43: {  	[tilespmem:s18], [sflag:$0x2] =	stream.indirect.gather [hbm4b:s4+s16], $0x80, s26, s16, $0xb8;
	[tilespmem:$0x1E800] =	vst v63  }
0x44: {  	_ =	swait.ge [sflag:s19], $0x4000  }
0x45: {  	[sflag:s19] =	ssyncset.done $0x0  }
0x46: {  	s29 =	sadd.s32 $0x1400, s25;
	[sflag:s19] =	ssyncadd.s32 $0xFFFFC000  }
0x47: {  	[spmem:s1] =	stream.indirect.scatter.add.f32 [tilespmem:s17], [sflag:$0x3], $0x80, s29, s16, $0xb8;
	[tilespmem:$0x1E800] =	vst v63  }
0x48: {  	_ =	swait.ge [sflag:s14], $0x4000  }
0x49: {  	[sflag:s14] =	ssyncset.done $0x0  }
0x4a: {  	s30 =	sadd.s32 $0x100, s25;
	[sflag:s14] =	ssyncadd.s32 $0xFFFFC000  }
0x4b: {  	[tilespmem:s17], [sflag:$0x1] =	stream.indirect.gather [hbm4b:s4+s16], $0x80, s30, s16, $0xb8;
	[tilespmem:$0x1E800] =	vst v63  }
0x4c: {  	_ =	swait.ge [sflag:s20], $0x4000  }
0x4d: {  	[sflag:s20] =	ssyncset.done $0x0  }
0x4e: {  	s31 =	sadd.s32 $0x1480, s25;
	[sflag:s20] =	ssyncadd.s32 $0xFFFFC000  }
0x4f: {  	[spmem:s1] =	stream.indirect.scatter.add.f32 [tilespmem:s18], [sflag:$0x3], $0x80, s31, s16, $0xb8;
	[tilespmem:$0x1E800] =	vst v63  }
0x50: {  	_ =	swait.ge [sflag:s14], $0x4000  }
0x51: {  	[sflag:s14] =	ssyncset.done $0x0  }
0x52: {  	[sflag:s14] =	ssyncadd.s32 $0xFFFFC000  }
0x53: {  	[tilespmem:s18], [sflag:$0x2] =	stream.indirect.gather [hbm4b:s4+s16], $0x80, s21, s16, $0xb8;
	[tilespmem:$0x1E800] =	vst v63  }
0x54: {  	_ =	swait.ge [sflag:s19], $0x4000  }
0x55: {  	[sflag:s19] =	ssyncset.done $0x0  }
0x56: {  	[sflag:s19] =	ssyncadd.s32 $0xFFFFC000  }
0x57: {  	[spmem:s1] =	stream.indirect.scatter.add.f32 [tilespmem:s17], [sflag:$0x3], $0x80, s22, s16, $0xb8;
	[tilespmem:$0x1E800] =	vst v63  }
0x58: {  	_ =	swait.ge [sflag:s14], $0x4000  }
0x59: {  	[sflag:s14] =	ssyncset.done $0x0  }
0x5a: {  	[sflag:s14] =	ssyncadd.s32 $0xFFFFC000  }
0x5b: {  	_ =	swait.ge [sflag:s20], $0x4000  }
0x5c: {  	[sflag:s20] =	ssyncset.done $0x0  }
0x5d: {  	[sflag:s20] =	ssyncadd.s32 $0xFFFFC000  }
0x5e: {  	[spmem:s1] =	stream.indirect.scatter.add.f32 [tilespmem:s18], [sflag:$0x3], $0x80, s23, s16, $0xb8;
	[tilespmem:$0x1E800] =	vst v63  }
0x5f: {  	_ =	swait.ge [sflag:s14], $0x4000  }
0x60: {  	[sflag:s14] =	ssyncset.done $0x0  }
0x61: {  	s26 =	simm.s32 $0x0;
	[sflag:s14] =	ssyncadd.s32 $0xFFFFC000  }
0x62: {  	[tilespmem:s26], [sflag:$0x3] =	stream.linear.gather [hbm4b:s9+s26], $0x1400, $0x38;
	[tilespmem:$0x1E800] =	vst v63  }
0x63: {  	_ =	swait.ge [sflag:s14], $0x1400  }
0x64: {  	[sflag:s14] =	ssyncset.done $0x0  }
0x65: {  	[sflag:s14] =	ssyncadd.s32 $0xFFFFEC00  }
0x66: {  	[tilespmem:s15], [sflag:$0x3] =	stream.linear.gather [hbm4b:s10+s26], $0x1400, $0x38;
	[tilespmem:$0x1E800] =	vst v63  }
0x67: {  	_ =	swait.ge [sflag:s14], $0x1400  }
0x68: {  	[sflag:s14] =	ssyncset.done $0x0  }
0x69: {  	[sflag:s14] =	ssyncadd.s32 $0xFFFFEC00  }
0x6a: {  	[tilespmem:s17], [sflag:$0x1] =	stream.indirect.gather [hbm4b:s4+s16], $0x80, s26, s16, $0xb8;
	[tilespmem:$0x1E800] =	vst v63  }
0x6b: {  	s28 =	simm.s32 $0x80  }
0x6c: {  	[tilespmem:s18], [sflag:$0x2] =	stream.indirect.gather [hbm4b:s4+s16], $0x80, s28, s16, $0xb8;
	[tilespmem:$0x1E800] =	vst v63  }
0x6d: {  	_ =	swait.ge [sflag:s19], $0x4000  }
0x6e: {  	[sflag:s19] =	ssyncset.done $0x0  }
0x6f: {  	s29 =	simm.s32 $0x1400;
	[sflag:s19] =	ssyncadd.s32 $0xFFFFC000  }
0x70: {  	[spmem:s1] =	stream.indirect.scatter.add.f32 [tilespmem:s17], [sflag:$0x3], $0x80, s29, s16, $0xb8;
	[tilespmem:$0x1E800] =	vst v63  }
0x71: {  	_ =	swait.ge [sflag:s14], $0x4000  }
0x72: {  	[sflag:s14] =	ssyncset.done $0x0  }
0x73: {  	s30 =	simm.s32 $0x100;
	[sflag:s14] =	ssyncadd.s32 $0xFFFFC000  }
0x74: {  	[tilespmem:s17], [sflag:$0x1] =	stream.indirect.gather [hbm4b:s4+s16], $0x80, s30, s16, $0xb8;
	[tilespmem:$0x1E800] =	vst v63  }
0x75: {  	_ =	swait.ge [sflag:s20], $0x4000  }
0x76: {  	[sflag:s20] =	ssyncset.done $0x0  }
0x77: {  	s31 =	simm.s32 $0x1480;
	[sflag:s20] =	ssyncadd.s32 $0xFFFFC000  }
0x78: {  	[spmem:s1] =	stream.indirect.scatter.add.f32 [tilespmem:s18], [sflag:$0x3], $0x80, s31, s16, $0xb8;
	[tilespmem:$0x1E800] =	vst v63  }
0x79: {  	_ =	swait.ge [sflag:s14], $0x4000  }
0x7a: {  	s25 =	simm.s32 $0x100;
	s26 =	simm.s32 $0x800;
	[sflag:s14] =	ssyncset.done $0x0  }
.LBB2_4:
0x7b: {  	s28 =	sadd.s32 $0x80, s25  }
0x7c: {  	[sflag:s14] =	ssyncadd.s32 $0xFFFFC000;
	s29 =	smov.u32 s26;
	s30 =	sadd.s32 $0x400, s26  }
0x7d: {  	[tilespmem:s18], [sflag:$0x2] =	stream.indirect.gather [hbm4b:s4+s16], $0x80, s28, s16, $0xb8;
	[tilespmem:$0x1E800] =	vst v63  }
0x7e: {  	p0 =	sne.s32 s26, $0x4800;
	_ =	swait.ge [sflag:s19], $0x4000  }
0x7f: {  	[sflag:s19] =	ssyncset.done $0x0  }
0x80: {  	s26 =	sadd.s32 $0x1400, s25;
	[sflag:s19] =	ssyncadd.s32 $0xFFFFC000  }
0x81: {  	[spmem:s1] =	stream.indirect.scatter.add.f32 [tilespmem:s17], [sflag:$0x3], $0x80, s26, s16, $0xb8;
	[tilespmem:$0x1E800] =	vst v63  }
0x82: {  	_ =	swait.ge [sflag:s14], $0x4000  }
0x83: {  	[sflag:s14] =	ssyncset.done $0x0  }
0x84: {  	s26 =	sadd.s32 $0x100, s25;
	[sflag:s14] =	ssyncadd.s32 $0xFFFFC000  }
0x85: {  	[tilespmem:s17], [sflag:$0x1] =	stream.indirect.gather [hbm4b:s4+s16], $0x80, s26, s16, $0xb8;
	[tilespmem:$0x1E800] =	vst v63  }
0x86: {  	_ =	swait.ge [sflag:s20], $0x4000  }
.Ltmp1:
0x87: {  	[sflag:s20] =	ssyncset.done $0x0;
	(pc) =	sbr.rel @p0 .LBB2_4-.Ltmp1, $4  }
0x88: {  	s25 =	sadd.s32 $0x1480, s25;
	[sflag:s20] =	ssyncadd.s32 $0xFFFFC000  }
0x89: {  	[spmem:s1] =	stream.indirect.scatter.add.f32 [tilespmem:s18], [sflag:$0x3], $0x80, s25, s16, $0xb8;
	[tilespmem:$0x1E800] =	vst v63  }
0x8a: {  	_ =	swait.ge [sflag:s14], $0x4000  }
0x8b: {  	s26 =	smov.u32 s30;
	s25 =	sshra.s32 s29, $0x2;
	[sflag:s14] =	ssyncset.done $0x0  }
0x8c: {  	s26 =	sadd.s32 $0x80, s25;
	[sflag:s14] =	ssyncadd.s32 $0xFFFFC000  }
0x8d: {  	[tilespmem:s18], [sflag:$0x2] =	stream.indirect.gather [hbm4b:s4+s16], $0x80, s26, s16, $0xb8;
	[tilespmem:$0x1E800] =	vst v63  }
0x8e: {  	_ =	swait.ge [sflag:s19], $0x4000  }
0x8f: {  	[sflag:s19] =	ssyncset.done $0x0  }
0x90: {  	s29 =	sadd.s32 $0x1400, s25;
	[sflag:s19] =	ssyncadd.s32 $0xFFFFC000  }
0x91: {  	[spmem:s1] =	stream.indirect.scatter.add.f32 [tilespmem:s17], [sflag:$0x3], $0x80, s29, s16, $0xb8;
	[tilespmem:$0x1E800] =	vst v63  }
0x92: {  	_ =	swait.ge [sflag:s14], $0x4000  }
0x93: {  	[sflag:s14] =	ssyncset.done $0x0  }
0x94: {  	s30 =	sadd.s32 $0x100, s25;
	[sflag:s14] =	ssyncadd.s32 $0xFFFFC000  }
0x95: {  	[tilespmem:s17], [sflag:$0x1] =	stream.indirect.gather [hbm4b:s4+s16], $0x80, s30, s16, $0xb8;
	[tilespmem:$0x1E800] =	vst v63  }
0x96: {  	_ =	swait.ge [sflag:s20], $0x4000  }
0x97: {  	[sflag:s20] =	ssyncset.done $0x0  }
0x98: {  	s31 =	sadd.s32 $0x1480, s25;
	[sflag:s20] =	ssyncadd.s32 $0xFFFFC000  }
0x99: {  	[spmem:s1] =	stream.indirect.scatter.add.f32 [tilespmem:s18], [sflag:$0x3], $0x80, s31, s16, $0xb8;
	[tilespmem:$0x1E800] =	vst v63  }
0x9a: {  	_ =	swait.ge [sflag:s14], $0x4000  }
0x9b: {  	[sflag:s14] =	ssyncset.done $0x0  }
0x9c: {  	[sflag:s14] =	ssyncadd.s32 $0xFFFFC000  }
0x9d: {  	[tilespmem:s18], [sflag:$0x2] =	stream.indirect.gather [hbm4b:s4+s16], $0x80, s21, s16, $0xb8;
	[tilespmem:$0x1E800] =	vst v63  }
0x9e: {  	_ =	swait.ge [sflag:s19], $0x4000  }
0x9f: {  	[sflag:s19] =	ssyncset.done $0x0  }
0xa0: {  	[sflag:s19] =	ssyncadd.s32 $0xFFFFC000  }
0xa1: {  	[spmem:s1] =	stream.indirect.scatter.add.f32 [tilespmem:s17], [sflag:$0x3], $0x80, s22, s16, $0xb8;
	[tilespmem:$0x1E800] =	vst v63  }
0xa2: {  	_ =	swait.ge [sflag:s14], $0x4000  }
0xa3: {  	[sflag:s14] =	ssyncset.done $0x0  }
0xa4: {  	[sflag:s14] =	ssyncadd.s32 $0xFFFFC000  }
0xa5: {  	_ =	swait.ge [sflag:s20], $0x4000  }
0xa6: {  	[sflag:s20] =	ssyncset.done $0x0  }
0xa7: {  	[sflag:s20] =	ssyncadd.s32 $0xFFFFC000  }
0xa8: {  	[spmem:s1] =	stream.indirect.scatter.add.f32 [tilespmem:s18], [sflag:$0x3], $0x80, s23, s16, $0xb8;
	[tilespmem:$0x1E800] =	vst v63  }
0xa9: {  	_ =	swait.ge [sflag:s14], $0x4000  }
0xaa: {  	s24 =	sadd.s32 $0x1, s24;
	[sflag:s14] =	ssyncset.done $0x0  }
0xab: {  	p0 =	sne.s32 s24, s12;
	[sflag:s14] =	ssyncadd.s32 $0xFFFFC000  }
.Ltmp2:
0xac: {  	[bflag:$0x0] =	sbarrier.arrive $0xFFFF;
	(pc) =	sbr.rel @p0 .LBB2_1-.Ltmp2, $4  }
0xad: {  	[hbm:s11], [sflag:s6] =	dma.local [spmem:s13], $0x2800  }
0xae: {  	_ =	swait.ge [sflag:s14], $0x2800  }
0xaf: {  	[sflag:s14] =	ssyncset.done $0x0  }
0xb0: {  	[sflag:s14] =	ssyncadd.s32 $0xFFFFD800  }
0xb1: {  	_ =	sfence.sel $0x180000  }
0xb2: {  	[bflag:$0x0] =	sbarrier.arrive $0xFFFF  }
0xb3: {  	p0 =	sne.s32 s2, $0x0;
	_ =	strace $0x9000004A  }
0xb4: {  	s0 =	sadd.s32 @!p0 $0x100000, s0;
	[bflag:$0x2] =	sbarrier.arrive $0xFFFF  }
0xb5: {  	[sflag:s0] =	ssyncadd.tile.s32 @!p0 $0x1;
	_ =	shalt  }
.Lfunc_end2:
_tile_overlayer_lowered:
.L_overlay_start_2:
0xb6: {  	(tag) =	ssettag $0x2  }
0xb7: {  	s0 =	rddreg [dreg:$0x0];
	s2 =	stileid.u32  }
0xb8: {  	s1 =	rddreg [dreg:$0x1];
	p0 =	sne.s32 s2, $0x0  }
0xb9: {  	s3 =	rddreg [dreg:$0x2];
	[bflag:$0x3] =	sbarrier.arrive $0xFFFF;
	s2 =	simm.s32 @!p0 $0x1C03  }
0xba: {  	[timem:s3], [sflag:s2] =	dma.local @!p0 [hbm:s0], s1  }
0xbb: {  	s0 =	simm.s32 @!p0 $0x3  }
0xbc: {  	_ =	swait.ge @!p0 [sflag:s0], s1  }
0xbd: {  	s1 =	ssub.s32 @!p0 $0x0, s1;
	[sflag:s0] =	ssyncset.done @!p0 $0x0  }
0xbe: {  	[sflag:s0] =	ssyncadd.s32 @!p0 s1  }
0xbf: {  	[bflag:$0x3] =	sbarrier.arrive $0xFFFF  }
0xc0: {  	_ =	shalt  }

</sc_bundles>
